<compile_context>
chip_gen: v7x
topology: tpu7x:2x2x1
jax: 0.10.2.dev20260603
libtpu: 0.0.44.dev20260713+nightly
codegen_flags: <defaults>
</compile_context>

<pallas_src>
import functools

import jax
import jax.numpy as jnp
from jax import lax
from jax.experimental import pallas as pl
from jax.experimental.pallas import tpu as pltpu
from jax.experimental.pallas import tpu_sc as plsc

D_MODEL = 64
SEQ = 50
LANES = 16
NW = 32

SEQ_PER_CHUNK = 2
CHUNK = SEQ_PER_CHUNK * SEQ
CHUNK_PAD = 104


def _pos_encoding(num_words, d_model):
    pos = jnp.arange(num_words, dtype=jnp.float32)[:, None]
    i = jnp.arange(d_model, dtype=jnp.float32)[None, :]
    denom = jnp.power(10000.0, 2.0 * i / d_model)
    angle = pos / denom
    even_mask = (jnp.arange(d_model) % 2 == 0)[None, :]
    return jnp.where(even_mask, jnp.sin(angle), jnp.cos(angle))


def _sc_embed(x_flat, table, pe, n_chunks, chunks_per_w):
    mesh = plsc.VectorSubcoreMesh(core_axis_name="c", subcore_axis_name="s")
    nc = mesh.num_cores

    @functools.partial(
        pl.kernel,
        out_type=jax.ShapeDtypeStruct((n_chunks * CHUNK_PAD, D_MODEL), jnp.float32),
        mesh=mesh,
        scratch_types=[
            pltpu.VMEM((chunks_per_w, CHUNK_PAD), jnp.int32),
            [pltpu.VMEM((CHUNK_PAD, D_MODEL), jnp.float32)] * 4,
            pltpu.VMEM((SEQ, D_MODEL), jnp.float32),
            [pltpu.SemaphoreType.DMA] * 4,
            [pltpu.SemaphoreType.DMA] * 4,
        ],
        compiler_params=pltpu.CompilerParams(use_tc_tiling_on_sc=False),
    )
    def k(x_hbm, table_hbm, pe_hbm, out_hbm,
          idx_all, rows, pe_v, gsem, ssem):
        wid = lax.axis_index("s") * nc + lax.axis_index("c")
        pltpu.sync_copy(pe_hbm, pe_v)
        pltpu.sync_copy(
            x_hbm.at[pl.ds(wid * chunks_per_w, chunks_per_w)], idx_all
        )

        def chunk_of(kk):
            return wid * chunks_per_w + kk

        def fire_gather(kk, p):
            pltpu.async_copy(table_hbm.at[idx_all.at[kk]], rows[p], gsem[p])

        def drain_gather(p):
            pltpu.make_async_copy(
                table_hbm.at[pl.ds(0, CHUNK_PAD)], rows[p], gsem[p]
            ).wait()

        def drain_store(p):
            pltpu.make_async_copy(
                table_hbm.at[pl.ds(0, CHUNK_PAD)], rows[p], ssem[p]
            ).wait()

        def add_pe_and_store(kk, p):
            rp = rows[p]

            def pe_body(s, _):
                pe_vecs = [pe_v[s, pl.ds(q * LANES, LANES)]
                           for q in range(D_MODEL // LANES)]
                for rseq in range(SEQ_PER_CHUNK):
                    r = rseq * SEQ + s
                    for q in range(D_MODEL // LANES):
                        sl = pl.ds(q * LANES, LANES)
                        rp[r, sl] = rp[r, sl] + pe_vecs[q]
                return 0

            lax.fori_loop(0, SEQ, pe_body, 0)
            pltpu.async_copy(
                rp,
                out_hbm.at[pl.ds(chunk_of(kk) * CHUNK_PAD, CHUNK_PAD)],
                ssem[p],
            )

        fire_gather(0, 0)
        fire_gather(1, 1)
        fire_gather(2, 2)

        drain_gather(0)
        fire_gather(3, 3)
        add_pe_and_store(0, 0)

        @pl.loop(1, chunks_per_w - 3, step=4)
        def body(t):
            for b in range(4):
                kk = t + b
                p = (1 + b) % 4
                drain_gather(p)
                drain_store((p + 3) % 4)
                fire_gather(kk + 3, (p + 3) % 4)
                add_pe_and_store(kk, p)

        for j in range(chunks_per_w - 3, chunks_per_w):
            p = j % 4
            drain_gather(p)
            drain_store((p + 3) % 4)
            add_pe_and_store(j, p)
        drain_store((chunks_per_w - 1) % 4)

    return k(x_flat, table, pe)


def kernel(x, table):
    if x.ndim == 1:
        x = x[None, :]
    batch, seq = x.shape
    d_model = table.shape[1]
    pe = _pos_encoding(seq, d_model).astype(jnp.float32)

    rows_total = batch * seq
    n_chunks = rows_total // CHUNK
    chunks_per_w = n_chunks // NW

    x_pad = jnp.pad(x.reshape(n_chunks, CHUNK),
                    ((0, 0), (0, CHUNK_PAD - CHUNK)))
    out = _sc_embed(x_pad, table, pe, n_chunks, chunks_per_w)
    out = out.reshape(n_chunks, CHUNK_PAD, d_model)[:, :CHUNK, :]
    return out.reshape(batch, seq, d_model)

# --- scband reference (transcript-rebuilt; emitter-appended) ---
"""Pipeline reference for scband-embedding-layer-12429635355223 (READ-ONLY COPY).

The authoritative reference and input builder live on the scoring server;
editing this copy changes nothing except your own understanding.
"""

import jax, jax.numpy as jnp
import numpy as np

VOCAB = 1000000
D_MODEL = 64
PAD_IDX = VOCAB - 100  # torch interprets padding_idx=-100 as num_embeddings - 100


def positional_encoding(num_words, d_model):
    pos = jnp.arange(num_words, dtype=jnp.float32)[:, None]
    i = jnp.arange(d_model, dtype=jnp.float32)[None, :]
    denom = jnp.power(10000.0, 2.0 * i / d_model)
    angle = pos / denom
    even_mask = (jnp.arange(d_model) % 2 == 0)[None, :]
    return jnp.where(even_mask, jnp.sin(angle), jnp.cos(angle))


def setup_inputs(seed: int = 0) -> dict:
    key = jax.random.key(seed)
    k1, k2 = jax.random.split(key)
    x = jax.random.randint(k1, (4096, 50), 0, VOCAB, dtype=jnp.int32)
    # torch.nn.Embedding init: N(0, 1); padding row zeroed at init
    table = jax.random.normal(k2, (VOCAB, D_MODEL), dtype=jnp.float32)
    table = table.at[PAD_IDX].set(0.0)
    return {"x": x, "table": table}


def reference(x, table):
    if x.ndim == 1:
        x = x[None, :]
    seq_num = x.shape[1]
    d_model = table.shape[1]
    pe = positional_encoding(seq_num, d_model)
    # embedding lookup (gather) + broadcast positional encoding across batch
    out = jnp.take(table, x, axis=0) + pe[None, :, :]
    return out

if __name__ == "__main__":
    import jax
    _d = setup_inputs()
    print(jax.jit(kernel)(*tuple(_d.values())))

</pallas_src>

<mosaic_0001>
#map = affine_map<(d0, d1) -> (0, 0)>
module attributes {stable_mosaic.version = 14 : i64} {
  func.func @k(%arg0: i32, %arg1: i32, %arg2: memref<2048x104xi32, #tpu.memory_space<hbm>>, %arg3: memref<1000000x64xf32, #tpu.memory_space<hbm>>, %arg4: memref<50x64xf32, #tpu.memory_space<hbm>>, %arg5: memref<212992x64xf32, #tpu.memory_space<hbm>>, %arg6: memref<64x104xi32, #tpu.memory_space<vmem>>, %arg7: memref<104x64xf32, #tpu.memory_space<vmem>>, %arg8: memref<104x64xf32, #tpu.memory_space<vmem>>, %arg9: memref<104x64xf32, #tpu.memory_space<vmem>>, %arg10: memref<104x64xf32, #tpu.memory_space<vmem>>, %arg11: memref<50x64xf32, #tpu.memory_space<vmem>>, %arg12: memref<!tpu.dma_semaphore, #tpu.memory_space<semaphore_mem>>, %arg13: memref<!tpu.dma_semaphore, #tpu.memory_space<semaphore_mem>>, %arg14: memref<!tpu.dma_semaphore, #tpu.memory_space<semaphore_mem>>, %arg15: memref<!tpu.dma_semaphore, #tpu.memory_space<semaphore_mem>>, %arg16: memref<!tpu.dma_semaphore, #tpu.memory_space<semaphore_mem>>, %arg17: memref<!tpu.dma_semaphore, #tpu.memory_space<semaphore_mem>>, %arg18: memref<!tpu.dma_semaphore, #tpu.memory_space<semaphore_mem>>, %arg19: memref<!tpu.dma_semaphore, #tpu.memory_space<semaphore_mem>>) attributes {dimension_semantics = [#tpu.dimension_semantics<core_parallel>, #tpu.dimension_semantics<subcore_parallel>], iteration_bounds = array<i64: 2, 16>, scalar_prefetch = 0 : i64, scratch_operands = 14 : i64, tpu.core_type = #tpu.core_type<sc_vector_subcore>, window_params = [{transform_indices = #map}, {transform_indices = #map}, {transform_indices = #map}, {transform_indices = #map}]} {
    %mul3A = arith.constant 2 : i32
    %mul3A_0 = arith.muli %arg1, %mul3A : i32
    %add3A = arith.addi %mul3A_0, %arg0 : i32
    "tpu.region"() ({
      %run_scoped3A = tpu.sem_alloc : memref<!tpu.dma_semaphore, #tpu.memory_space<semaphore_mem>>
      tpu.enqueue_dma source(%arg4 : memref<50x64xf32, #tpu.memory_space<hbm>>) target(%arg11 : memref<50x64xf32, #tpu.memory_space<vmem>>) target_semaphore(%run_scoped3A : memref<!tpu.dma_semaphore, #tpu.memory_space<semaphore_mem>>)
      tpu.wait_dma2 semaphore(%run_scoped3A : memref<!tpu.dma_semaphore, #tpu.memory_space<semaphore_mem>>) src(%arg4 : memref<50x64xf32, #tpu.memory_space<hbm>>) dst(%arg11 : memref<50x64xf32, #tpu.memory_space<vmem>>)
      tpu.yield
    }) : () -> ()
    %mul3A_1 = arith.constant 64 : i32
    %mul3A_2 = arith.muli %add3A, %mul3A_1 : i32
    "tpu.region"() ({
      %run_scoped3A = tpu.sem_alloc : memref<!tpu.dma_semaphore, #tpu.memory_space<semaphore_mem>>
      %dma_start3A_149 = arith.constant 0 : i32
      %dma_start3A_150 = tpu.memref_slice %arg2[%mul3A_2, %dma_start3A_149] : memref<2048x104xi32, #tpu.memory_space<hbm>> -> memref<64x104xi32, #tpu.memory_space<hbm>>
      %dma_start3A_151 = arith.constant 0 : i32
      %dma_start3A_152 = tpu.memref_slice %arg2[%mul3A_2, %dma_start3A_151] : memref<2048x104xi32, #tpu.memory_space<hbm>> -> memref<64x104xi32, #tpu.memory_space<hbm>>
      tpu.enqueue_dma source(%dma_start3A_152 : memref<64x104xi32, #tpu.memory_space<hbm>>) target(%arg6 : memref<64x104xi32, #tpu.memory_space<vmem>>) target_semaphore(%run_scoped3A : memref<!tpu.dma_semaphore, #tpu.memory_space<semaphore_mem>>)
      %dma_wait3A_153 = arith.constant 0 : i32
      %dma_wait3A_154 = tpu.memref_slice %arg2[%mul3A_2, %dma_wait3A_153] : memref<2048x104xi32, #tpu.memory_space<hbm>> -> memref<64x104xi32, #tpu.memory_space<hbm>>
      %dma_wait3A_155 = arith.constant 0 : i32
      %dma_wait3A_156 = tpu.memref_slice %arg2[%mul3A_2, %dma_wait3A_155] : memref<2048x104xi32, #tpu.memory_space<hbm>> -> memref<64x104xi32, #tpu.memory_space<hbm>>
      tpu.wait_dma2 semaphore(%run_scoped3A : memref<!tpu.dma_semaphore, #tpu.memory_space<semaphore_mem>>) src(%dma_wait3A_156 : memref<64x104xi32, #tpu.memory_space<hbm>>) dst(%arg6 : memref<64x104xi32, #tpu.memory_space<vmem>>)
      tpu.yield
    }) : () -> ()
    %dma_start3A = arith.constant 0 : i32
    %dma_start3A_3 = arith.constant 0 : i32
    %dma_start3A_4 = tpu.memref_slice %arg6[%dma_start3A, %dma_start3A_3] : memref<64x104xi32, #tpu.memory_space<vmem>> -> memref<1x104xi32, #tpu.memory_space<vmem>>
    %dma_start3A_5 = tpu.memref_squeeze %dma_start3A_4 : memref<1x104xi32, #tpu.memory_space<vmem>> -> memref<104xi32, #tpu.memory_space<vmem>>
    %dma_start3A_6 = arith.constant 0 : i32
    %dma_start3A_7 = arith.constant 0 : i32
    %dma_start3A_8 = tpu.memref_slice %arg3[%dma_start3A_6, %dma_start3A_7] : memref<1000000x64xf32, #tpu.memory_space<hbm>> -> memref<1000000x64xf32, #tpu.memory_space<hbm>>
    tpu.enqueue_indirect_dma source(%dma_start3A_8 : memref<1000000x64xf32, #tpu.memory_space<hbm>>) target(%arg7 : memref<104x64xf32, #tpu.memory_space<vmem>>) offsets(%dma_start3A_5 : memref<104xi32, #tpu.memory_space<vmem>>) semaphore(%arg12 : memref<!tpu.dma_semaphore, #tpu.memory_space<semaphore_mem>>)
    %dma_start3A_9 = arith.constant 1 : i32
    %dma_start3A_10 = arith.constant 0 : i32
    %dma_start3A_11 = tpu.memref_slice %arg6[%dma_start3A_9, %dma_start3A_10] : memref<64x104xi32, #tpu.memory_space<vmem>> -> memref<1x104xi32, #tpu.memory_space<vmem>>
    %dma_start3A_12 = tpu.memref_squeeze %dma_start3A_11 : memref<1x104xi32, #tpu.memory_space<vmem>> -> memref<104xi32, #tpu.memory_space<vmem>>
    %dma_start3A_13 = arith.constant 0 : i32
    %dma_start3A_14 = arith.constant 0 : i32
    %dma_start3A_15 = tpu.memref_slice %arg3[%dma_start3A_13, %dma_start3A_14] : memref<1000000x64xf32, #tpu.memory_space<hbm>> -> memref<1000000x64xf32, #tpu.memory_space<hbm>>
    tpu.enqueue_indirect_dma source(%dma_start3A_15 : memref<1000000x64xf32, #tpu.memory_space<hbm>>) target(%arg8 : memref<104x64xf32, #tpu.memory_space<vmem>>) offsets(%dma_start3A_12 : memref<104xi32, #tpu.memory_space<vmem>>) semaphore(%arg13 : memref<!tpu.dma_semaphore, #tpu.memory_space<semaphore_mem>>)
    %dma_start3A_16 = arith.constant 2 : i32
    %dma_start3A_17 = arith.constant 0 : i32
    %dma_start3A_18 = tpu.memref_slice %arg6[%dma_start3A_16, %dma_start3A_17] : memref<64x104xi32, #tpu.memory_space<vmem>> -> memref<1x104xi32, #tpu.memory_space<vmem>>
    %dma_start3A_19 = tpu.memref_squeeze %dma_start3A_18 : memref<1x104xi32, #tpu.memory_space<vmem>> -> memref<104xi32, #tpu.memory_space<vmem>>
    %dma_start3A_20 = arith.constant 0 : i32
    %dma_start3A_21 = arith.constant 0 : i32
    %dma_start3A_22 = tpu.memref_slice %arg3[%dma_start3A_20, %dma_start3A_21] : memref<1000000x64xf32, #tpu.memory_space<hbm>> -> memref<1000000x64xf32, #tpu.memory_space<hbm>>
    tpu.enqueue_indirect_dma source(%dma_start3A_22 : memref<1000000x64xf32, #tpu.memory_space<hbm>>) target(%arg9 : memref<104x64xf32, #tpu.memory_space<vmem>>) offsets(%dma_start3A_19 : memref<104xi32, #tpu.memory_space<vmem>>) semaphore(%arg14 : memref<!tpu.dma_semaphore, #tpu.memory_space<semaphore_mem>>)
    %dma_wait3A = arith.constant 0 : i32
    %dma_wait3A_23 = arith.constant 0 : i32
    %dma_wait3A_24 = tpu.memref_slice %arg3[%dma_wait3A, %dma_wait3A_23] : memref<1000000x64xf32, #tpu.memory_space<hbm>> -> memref<104x64xf32, #tpu.memory_space<hbm>>
    %dma_wait3A_25 = arith.constant 0 : i32
    %dma_wait3A_26 = arith.constant 0 : i32
    %dma_wait3A_27 = tpu.memref_slice %arg3[%dma_wait3A_25, %dma_wait3A_26] : memref<1000000x64xf32, #tpu.memory_space<hbm>> -> memref<104x64xf32, #tpu.memory_space<hbm>>
    tpu.wait_dma2 semaphore(%arg12 : memref<!tpu.dma_semaphore, #tpu.memory_space<semaphore_mem>>) src(%dma_wait3A_27 : memref<104x64xf32, #tpu.memory_space<hbm>>) dst(%arg7 : memref<104x64xf32, #tpu.memory_space<vmem>>)
    %dma_start3A_28 = arith.constant 3 : i32
    %dma_start3A_29 = arith.constant 0 : i32
    %dma_start3A_30 = tpu.memref_slice %arg6[%dma_start3A_28, %dma_start3A_29] : memref<64x104xi32, #tpu.memory_space<vmem>> -> memref<1x104xi32, #tpu.memory_space<vmem>>
    %dma_start3A_31 = tpu.memref_squeeze %dma_start3A_30 : memref<1x104xi32, #tpu.memory_space<vmem>> -> memref<104xi32, #tpu.memory_space<vmem>>
    %dma_start3A_32 = arith.constant 0 : i32
    %dma_start3A_33 = arith.constant 0 : i32
    %dma_start3A_34 = tpu.memref_slice %arg3[%dma_start3A_32, %dma_start3A_33] : memref<1000000x64xf32, #tpu.memory_space<hbm>> -> memref<1000000x64xf32, #tpu.memory_space<hbm>>
    tpu.enqueue_indirect_dma source(%dma_start3A_34 : memref<1000000x64xf32, #tpu.memory_space<hbm>>) target(%arg10 : memref<104x64xf32, #tpu.memory_space<vmem>>) offsets(%dma_start3A_31 : memref<104xi32, #tpu.memory_space<vmem>>) semaphore(%arg15 : memref<!tpu.dma_semaphore, #tpu.memory_space<semaphore_mem>>)
    %scan3A = arith.constant 0 : i32
    %scan3A_35 = arith.constant 0 : i32
    %scan3A_36 = arith.constant 50 : i32
    %scan3A_37 = arith.addi %scan3A_35, %scan3A_36 : i32
    %scan3A_38 = arith.constant 1 : i32
    %scan3A_39 = scf.for %scan3A_149 = %scan3A_35 to %scan3A_37 step %scan3A_38 iter_args(%scan3A_150 = %scan3A) -> (i32)  : i32 {
      %get3A = arith.index_cast %scan3A_149 : i32 to index
      %get3A_151 = arith.constant 0 : index
      %get3A_152 = tpu.vector_load %arg11[%get3A, %get3A_151] {strides = array<i32>} : memref<50x64xf32, #tpu.memory_space<vmem>>, vector<1x16xf32>,
      %get3A_153 = vector.shape_cast %get3A_152 : vector<1x16xf32> to vector<16xf32>
      %get3A_154 = arith.index_cast %scan3A_149 : i32 to index
      %get3A_155 = arith.constant 16 : index
      %get3A_156 = tpu.vector_load %arg11[%get3A_154, %get3A_155] {strides = array<i32>} : memref<50x64xf32, #tpu.memory_space<vmem>>, vector<1x16xf32>,
      %get3A_157 = vector.shape_cast %get3A_156 : vector<1x16xf32> to vector<16xf32>
      %get3A_158 = arith.index_cast %scan3A_149 : i32 to index
      %get3A_159 = arith.constant 32 : index
      %get3A_160 = tpu.vector_load %arg11[%get3A_158, %get3A_159] {strides = array<i32>} : memref<50x64xf32, #tpu.memory_space<vmem>>, vector<1x16xf32>,
      %get3A_161 = vector.shape_cast %get3A_160 : vector<1x16xf32> to vector<16xf32>
      %get3A_162 = arith.index_cast %scan3A_149 : i32 to index
      %get3A_163 = arith.constant 48 : index
      %get3A_164 = tpu.vector_load %arg11[%get3A_162, %get3A_163] {strides = array<i32>} : memref<50x64xf32, #tpu.memory_space<vmem>>, vector<1x16xf32>,
      %get3A_165 = vector.shape_cast %get3A_164 : vector<1x16xf32> to vector<16xf32>
      %add3A_166 = arith.constant 0 : i32
      %add3A_167 = arith.addi %add3A_166, %scan3A_149 : i32
      %get3A_168 = arith.index_cast %add3A_167 : i32 to index
      %get3A_169 = arith.constant 0 : index
      %get3A_170 = tpu.vector_load %arg7[%get3A_168, %get3A_169] {strides = array<i32>} : memref<104x64xf32, #tpu.memory_space<vmem>>, vector<1x16xf32>,
      %get3A_171 = vector.shape_cast %get3A_170 : vector<1x16xf32> to vector<16xf32>
      %add3A_172 = arith.addf %get3A_171, %get3A_153 : vector<16xf32>
      %swap3A = arith.index_cast %add3A_167 : i32 to index
      %swap3A_173 = arith.constant 0 : index
      %swap3A_174 = tpu.vector_load %arg7[%swap3A, %swap3A_173] {strides = array<i32>} : memref<104x64xf32, #tpu.memory_space<vmem>>, vector<1x16xf32>,
      %swap3A_175 = vector.shape_cast %swap3A_174 : vector<1x16xf32> to vector<16xf32>
      %swap3A_176 = vector.shape_cast %add3A_172 : vector<16xf32> to vector<1x16xf32>
      tpu.vector_store %arg7[%swap3A, %swap3A_173], %swap3A_176 {strides = array<i32>} : memref<104x64xf32, #tpu.memory_space<vmem>>, vector<1x16xf32>,
      %get3A_177 = arith.index_cast %add3A_167 : i32 to index
      %get3A_178 = arith.constant 16 : index
      %get3A_179 = tpu.vector_load %arg7[%get3A_177, %get3A_178] {strides = array<i32>} : memref<104x64xf32, #tpu.memory_space<vmem>>, vector<1x16xf32>,
      %get3A_180 = vector.shape_cast %get3A_179 : vector<1x16xf32> to vector<16xf32>
      %add3A_181 = arith.addf %get3A_180, %get3A_157 : vector<16xf32>
      %swap3A_182 = arith.index_cast %add3A_167 : i32 to index
      %swap3A_183 = arith.constant 16 : index
      %swap3A_184 = tpu.vector_load %arg7[%swap3A_182, %swap3A_183] {strides = array<i32>} : memref<104x64xf32, #tpu.memory_space<vmem>>, vector<1x16xf32>,
      %swap3A_185 = vector.shape_cast %swap3A_184 : vector<1x16xf32> to vector<16xf32>
      %swap3A_186 = vector.shape_cast %add3A_181 : vector<16xf32> to vector<1x16xf32>
      tpu.vector_store %arg7[%swap3A_182, %swap3A_183], %swap3A_186 {strides = array<i32>} : memref<104x64xf32, #tpu.memory_space<vmem>>, vector<1x16xf32>,
      %get3A_187 = arith.index_cast %add3A_167 : i32 to index
      %get3A_188 = arith.constant 32 : index
      %get3A_189 = tpu.vector_load %arg7[%get3A_187, %get3A_188] {strides = array<i32>} : memref<104x64xf32, #tpu.memory_space<vmem>>, vector<1x16xf32>,
      %get3A_190 = vector.shape_cast %get3A_189 : vector<1x16xf32> to vector<16xf32>
      %add3A_191 = arith.addf %get3A_190, %get3A_161 : vector<16xf32>
      %swap3A_192 = arith.index_cast %add3A_167 : i32 to index
      %swap3A_193 = arith.constant 32 : index
      %swap3A_194 = tpu.vector_load %arg7[%swap3A_192, %swap3A_193] {strides = array<i32>} : memref<104x64xf32, #tpu.memory_space<vmem>>, vector<1x16xf32>,
      %swap3A_195 = vector.shape_cast %swap3A_194 : vector<1x16xf32> to vector<16xf32>
      %swap3A_196 = vector.shape_cast %add3A_191 : vector<16xf32> to vector<1x16xf32>
      tpu.vector_store %arg7[%swap3A_192, %swap3A_193], %swap3A_196 {strides = array<i32>} : memref<104x64xf32, #tpu.memory_space<vmem>>, vector<1x16xf32>,
      %get3A_197 = arith.index_cast %add3A_167 : i32 to index
      %get3A_198 = arith.constant 48 : index
      %get3A_199 = tpu.vector_load %arg7[%get3A_197, %get3A_198] {strides = array<i32>} : memref<104x64xf32, #tpu.memory_space<vmem>>, vector<1x16xf32>,
      %get3A_200 = vector.shape_cast %get3A_199 : vector<1x16xf32> to vector<16xf32>
      %add3A_201 = arith.addf %get3A_200, %get3A_165 : vector<16xf32>
      %swap3A_202 = arith.index_cast %add3A_167 : i32 to index
      %swap3A_203 = arith.constant 48 : index
      %swap3A_204 = tpu.vector_load %arg7[%swap3A_202, %swap3A_203] {strides = array<i32>} : memref<104x64xf32, #tpu.memory_space<vmem>>, vector<1x16xf32>,
      %swap3A_205 = vector.shape_cast %swap3A_204 : vector<1x16xf32> to vector<16xf32>
      %swap3A_206 = vector.shape_cast %add3A_201 : vector<16xf32> to vector<1x16xf32>
      tpu.vector_store %arg7[%swap3A_202, %swap3A_203], %swap3A_206 {strides = array<i32>} : memref<104x64xf32, #tpu.memory_space<vmem>>, vector<1x16xf32>,
      %add3A_207 = arith.constant 50 : i32
      %add3A_208 = arith.addi %add3A_207, %scan3A_149 : i32
      %get3A_209 = arith.index_cast %add3A_208 : i32 to index
      %get3A_210 = arith.constant 0 : index
      %get3A_211 = tpu.vector_load %arg7[%get3A_209, %get3A_210] {strides = array<i32>} : memref<104x64xf32, #tpu.memory_space<vmem>>, vector<1x16xf32>,
      %get3A_212 = vector.shape_cast %get3A_211 : vector<1x16xf32> to vector<16xf32>
      %add3A_213 = arith.addf %get3A_212, %get3A_153 : vector<16xf32>
      %swap3A_214 = arith.index_cast %add3A_208 : i32 to index
      %swap3A_215 = arith.constant 0 : index
      %swap3A_216 = tpu.vector_load %arg7[%swap3A_214, %swap3A_215] {strides = array<i32>} : memref<104x64xf32, #tpu.memory_space<vmem>>, vector<1x16xf32>,
      %swap3A_217 = vector.shape_cast %swap3A_216 : vector<1x16xf32> to vector<16xf32>
      %swap3A_218 = vector.shape_cast %add3A_213 : vector<16xf32> to vector<1x16xf32>
      tpu.vector_store %arg7[%swap3A_214, %swap3A_215], %swap3A_218 {strides = array<i32>} : memref<104x64xf32, #tpu.memory_space<vmem>>, vector<1x16xf32>,
      %get3A_219 = arith.index_cast %add3A_208 : i32 to index
      %get3A_220 = arith.constant 16 : index
      %get3A_221 = tpu.vector_load %arg7[%get3A_219, %get3A_220] {strides = array<i32>} : memref<104x64xf32, #tpu.memory_space<vmem>>, vector<1x16xf32>,
      %get3A_222 = vector.shape_cast %get3A_221 : vector<1x16xf32> to vector<16xf32>
      %add3A_223 = arith.addf %get3A_222, %get3A_157 : vector<16xf32>
      %swap3A_224 = arith.index_cast %add3A_208 : i32 to index
      %swap3A_225 = arith.constant 16 : index
      %swap3A_226 = tpu.vector_load %arg7[%swap3A_224, %swap3A_225] {strides = array<i32>} : memref<104x64xf32, #tpu.memory_space<vmem>>, vector<1x16xf32>,
      %swap3A_227 = vector.shape_cast %swap3A_226 : vector<1x16xf32> to vector<16xf32>
      %swap3A_228 = vector.shape_cast %add3A_223 : vector<16xf32> to vector<1x16xf32>
      tpu.vector_store %arg7[%swap3A_224, %swap3A_225], %swap3A_228 {strides = array<i32>} : memref<104x64xf32, #tpu.memory_space<vmem>>, vector<1x16xf32>,
      %get3A_229 = arith.index_cast %add3A_208 : i32 to index
      %get3A_230 = arith.constant 32 : index
      %get3A_231 = tpu.vector_load %arg7[%get3A_229, %get3A_230] {strides = array<i32>} : memref<104x64xf32, #tpu.memory_space<vmem>>, vector<1x16xf32>,
      %get3A_232 = vector.shape_cast %get3A_231 : vector<1x16xf32> to vector<16xf32>
      %add3A_233 = arith.addf %get3A_232, %get3A_161 : vector<16xf32>
      %swap3A_234 = arith.index_cast %add3A_208 : i32 to index
      %swap3A_235 = arith.constant 32 : index
      %swap3A_236 = tpu.vector_load %arg7[%swap3A_234, %swap3A_235] {strides = array<i32>} : memref<104x64xf32, #tpu.memory_space<vmem>>, vector<1x16xf32>,
      %swap3A_237 = vector.shape_cast %swap3A_236 : vector<1x16xf32> to vector<16xf32>
      %swap3A_238 = vector.shape_cast %add3A_233 : vector<16xf32> to vector<1x16xf32>
      tpu.vector_store %arg7[%swap3A_234, %swap3A_235], %swap3A_238 {strides = array<i32>} : memref<104x64xf32, #tpu.memory_space<vmem>>, vector<1x16xf32>,
      %get3A_239 = arith.index_cast %add3A_208 : i32 to index
      %get3A_240 = arith.constant 48 : index
      %get3A_241 = tpu.vector_load %arg7[%get3A_239, %get3A_240] {strides = array<i32>} : memref<104x64xf32, #tpu.memory_space<vmem>>, vector<1x16xf32>,
      %get3A_242 = vector.shape_cast %get3A_241 : vector<1x16xf32> to vector<16xf32>
      %add3A_243 = arith.addf %get3A_242, %get3A_165 : vector<16xf32>
      %swap3A_244 = arith.index_cast %add3A_208 : i32 to index
      %swap3A_245 = arith.constant 48 : index
      %swap3A_246 = tpu.vector_load %arg7[%swap3A_244, %swap3A_245] {strides = array<i32>} : memref<104x64xf32, #tpu.memory_space<vmem>>, vector<1x16xf32>,
      %swap3A_247 = vector.shape_cast %swap3A_246 : vector<1x16xf32> to vector<16xf32>
      %swap3A_248 = vector.shape_cast %add3A_243 : vector<16xf32> to vector<1x16xf32>
      tpu.vector_store %arg7[%swap3A_244, %swap3A_245], %swap3A_248 {strides = array<i32>} : memref<104x64xf32, #tpu.memory_space<vmem>>, vector<1x16xf32>,
      %scan3A_249 = arith.constant 0 : i32
      scf.yield %scan3A_249 : i32
    }
    %scan3A_40 = arith.constant 50 : i32
    %mul3A_41 = arith.constant 64 : i32
    %mul3A_42 = arith.muli %add3A, %mul3A_41 : i32
    %add3A_43 = arith.constant 0 : i32
    %add3A_44 = arith.addi %mul3A_42, %add3A_43 : i32
    %mul3A_45 = arith.constant 104 : i32
    %mul3A_46 = arith.muli %add3A_44, %mul3A_45 : i32
    %dma_start3A_47 = arith.constant 0 : i32
    %dma_start3A_48 = tpu.memref_slice %arg5[%mul3A_46, %dma_start3A_47] : memref<212992x64xf32, #tpu.memory_space<hbm>> -> memref<104x64xf32, #tpu.memory_space<hbm>>
    %dma_start3A_49 = arith.constant 0 : i32
    %dma_start3A_50 = tpu.memref_slice %arg5[%mul3A_46, %dma_start3A_49] : memref<212992x64xf32, #tpu.memory_space<hbm>> -> memref<104x64xf32, #tpu.memory_space<hbm>>
    tpu.enqueue_dma source(%arg7 : memref<104x64xf32, #tpu.memory_space<vmem>>) target(%dma_start3A_50 : memref<104x64xf32, #tpu.memory_space<hbm>>) target_semaphore(%arg16 : memref<!tpu.dma_semaphore, #tpu.memory_space<semaphore_mem>>)
    %scan3A_51 = arith.constant 0 : i32
    %scan3A_52 = arith.constant 15 : i32
    %scan3A_53 = arith.addi %scan3A_51, %scan3A_52 : i32
    %scan3A_54 = arith.constant 1 : i32
    scf.for %scan3A_149 = %scan3A_51 to %scan3A_53 step %scan3A_54  : i32 {
      %mul3A_150 = arith.constant 4 : i32
      %mul3A_151 = arith.muli %scan3A_149, %mul3A_150 : i32
      %add3A_152 = arith.constant 1 : i32
      %add3A_153 = arith.addi %add3A_152, %mul3A_151 : i32
      %add3A_154 = arith.constant 0 : i32
      %add3A_155 = arith.addi %add3A_153, %add3A_154 : i32
      %dma_wait3A_156 = arith.constant 0 : i32
      %dma_wait3A_157 = arith.constant 0 : i32
      %dma_wait3A_158 = tpu.memref_slice %arg3[%dma_wait3A_156, %dma_wait3A_157] : memref<1000000x64xf32, #tpu.memory_space<hbm>> -> memref<104x64xf32, #tpu.memory_space<hbm>>
      %dma_wait3A_159 = arith.constant 0 : i32
      %dma_wait3A_160 = arith.constant 0 : i32
      %dma_wait3A_161 = tpu.memref_slice %arg3[%dma_wait3A_159, %dma_wait3A_160] : memref<1000000x64xf32, #tpu.memory_space<hbm>> -> memref<104x64xf32, #tpu.memory_space<hbm>>
      tpu.wait_dma2 semaphore(%arg13 : memref<!tpu.dma_semaphore, #tpu.memory_space<semaphore_mem>>) src(%dma_wait3A_161 : memref<104x64xf32, #tpu.memory_space<hbm>>) dst(%arg8 : memref<104x64xf32, #tpu.memory_space<vmem>>)
      %dma_wait3A_162 = arith.constant 0 : i32
      %dma_wait3A_163 = arith.constant 0 : i32
      %dma_wait3A_164 = tpu.memref_slice %arg3[%dma_wait3A_162, %dma_wait3A_163] : memref<1000000x64xf32, #tpu.memory_space<hbm>> -> memref<104x64xf32, #tpu.memory_space<hbm>>
      %dma_wait3A_165 = arith.constant 0 : i32
      %dma_wait3A_166 = arith.constant 0 : i32
      %dma_wait3A_167 = tpu.memref_slice %arg3[%dma_wait3A_165, %dma_wait3A_166] : memref<1000000x64xf32, #tpu.memory_space<hbm>> -> memref<104x64xf32, #tpu.memory_space<hbm>>
      tpu.wait_dma2 semaphore(%arg16 : memref<!tpu.dma_semaphore, #tpu.memory_space<semaphore_mem>>) src(%dma_wait3A_167 : memref<104x64xf32, #tpu.memory_space<hbm>>) dst(%arg7 : memref<104x64xf32, #tpu.memory_space<vmem>>)
      %add3A_168 = arith.constant 3 : i32
      %add3A_169 = arith.addi %add3A_155, %add3A_168 : i32
      %dma_start3A_170 = arith.constant 0 : i32
      %dma_start3A_171 = tpu.memref_slice %arg6[%add3A_169, %dma_start3A_170] : memref<64x104xi32, #tpu.memory_space<vmem>> -> memref<1x104xi32, #tpu.memory_space<vmem>>
      %dma_start3A_172 = tpu.memref_squeeze %dma_start3A_171 : memref<1x104xi32, #tpu.memory_space<vmem>> -> memref<104xi32, #tpu.memory_space<vmem>>
      %dma_start3A_173 = arith.constant 0 : i32
      %dma_start3A_174 = arith.constant 0 : i32
      %dma_start3A_175 = tpu.memref_slice %arg3[%dma_start3A_173, %dma_start3A_174] : memref<1000000x64xf32, #tpu.memory_space<hbm>> -> memref<1000000x64xf32, #tpu.memory_space<hbm>>
      tpu.enqueue_indirect_dma source(%dma_start3A_175 : memref<1000000x64xf32, #tpu.memory_space<hbm>>) target(%arg7 : memref<104x64xf32, #tpu.memory_space<vmem>>) offsets(%dma_start3A_172 : memref<104xi32, #tpu.memory_space<vmem>>) semaphore(%arg12 : memref<!tpu.dma_semaphore, #tpu.memory_space<semaphore_mem>>)
      %scan3A_176 = arith.constant 0 : i32
      %scan3A_177 = arith.constant 0 : i32
      %scan3A_178 = arith.constant 50 : i32
      %scan3A_179 = arith.addi %scan3A_177, %scan3A_178 : i32
      %scan3A_180 = arith.constant 1 : i32
      %scan3A_181 = scf.for %scan3A_306 = %scan3A_177 to %scan3A_179 step %scan3A_180 iter_args(%scan3A_307 = %scan3A_176) -> (i32)  : i32 {
        %get3A = arith.index_cast %scan3A_306 : i32 to index
        %get3A_308 = arith.constant 0 : index
        %get3A_309 = tpu.vector_load %arg11[%get3A, %get3A_308] {strides = array<i32>} : memref<50x64xf32, #tpu.memory_space<vmem>>, vector<1x16xf32>,
        %get3A_310 = vector.shape_cast %get3A_309 : vector<1x16xf32> to vector<16xf32>
        %get3A_311 = arith.index_cast %scan3A_306 : i32 to index
        %get3A_312 = arith.constant 16 : index
        %get3A_313 = tpu.vector_load %arg11[%get3A_311, %get3A_312] {strides = array<i32>} : memref<50x64xf32, #tpu.memory_space<vmem>>, vector<1x16xf32>,
        %get3A_314 = vector.shape_cast %get3A_313 : vector<1x16xf32> to vector<16xf32>
        %get3A_315 = arith.index_cast %scan3A_306 : i32 to index
        %get3A_316 = arith.constant 32 : index
        %get3A_317 = tpu.vector_load %arg11[%get3A_315, %get3A_316] {strides = array<i32>} : memref<50x64xf32, #tpu.memory_space<vmem>>, vector<1x16xf32>,
        %get3A_318 = vector.shape_cast %get3A_317 : vector<1x16xf32> to vector<16xf32>
        %get3A_319 = arith.index_cast %scan3A_306 : i32 to index
        %get3A_320 = arith.constant 48 : index
        %get3A_321 = tpu.vector_load %arg11[%get3A_319, %get3A_320] {strides = array<i32>} : memref<50x64xf32, #tpu.memory_space<vmem>>, vector<1x16xf32>,
        %get3A_322 = vector.shape_cast %get3A_321 : vector<1x16xf32> to vector<16xf32>
        %add3A_323 = arith.constant 0 : i32
        %add3A_324 = arith.addi %add3A_323, %scan3A_306 : i32
        %get3A_325 = arith.index_cast %add3A_324 : i32 to index
        %get3A_326 = arith.constant 0 : index
        %get3A_327 = tpu.vector_load %arg8[%get3A_325, %get3A_326] {strides = array<i32>} : memref<104x64xf32, #tpu.memory_space<vmem>>, vector<1x16xf32>,
        %get3A_328 = vector.shape_cast %get3A_327 : vector<1x16xf32> to vector<16xf32>
        %add3A_329 = arith.addf %get3A_328, %get3A_310 : vector<16xf32>
        %swap3A = arith.index_cast %add3A_324 : i32 to index
        %swap3A_330 = arith.constant 0 : index
        %swap3A_331 = tpu.vector_load %arg8[%swap3A, %swap3A_330] {strides = array<i32>} : memref<104x64xf32, #tpu.memory_space<vmem>>, vector<1x16xf32>,
        %swap3A_332 = vector.shape_cast %swap3A_331 : vector<1x16xf32> to vector<16xf32>
        %swap3A_333 = vector.shape_cast %add3A_329 : vector<16xf32> to vector<1x16xf32>
        tpu.vector_store %arg8[%swap3A, %swap3A_330], %swap3A_333 {strides = array<i32>} : memref<104x64xf32, #tpu.memory_space<vmem>>, vector<1x16xf32>,
        %get3A_334 = arith.index_cast %add3A_324 : i32 to index
        %get3A_335 = arith.constant 16 : index
        %get3A_336 = tpu.vector_load %arg8[%get3A_334, %get3A_335] {strides = array<i32>} : memref<104x64xf32, #tpu.memory_space<vmem>>, vector<1x16xf32>,
        %get3A_337 = vector.shape_cast %get3A_336 : vector<1x16xf32> to vector<16xf32>
        %add3A_338 = arith.addf %get3A_337, %get3A_314 : vector<16xf32>
        %swap3A_339 = arith.index_cast %add3A_324 : i32 to index
        %swap3A_340 = arith.constant 16 : index
        %swap3A_341 = tpu.vector_load %arg8[%swap3A_339, %swap3A_340] {strides = array<i32>} : memref<104x64xf32, #tpu.memory_space<vmem>>, vector<1x16xf32>,
        %swap3A_342 = vector.shape_cast %swap3A_341 : vector<1x16xf32> to vector<16xf32>
        %swap3A_343 = vector.shape_cast %add3A_338 : vector<16xf32> to vector<1x16xf32>
        tpu.vector_store %arg8[%swap3A_339, %swap3A_340], %swap3A_343 {strides = array<i32>} : memref<104x64xf32, #tpu.memory_space<vmem>>, vector<1x16xf32>,
        %get3A_344 = arith.index_cast %add3A_324 : i32 to index
        %get3A_345 = arith.constant 32 : index
        %get3A_346 = tpu.vector_load %arg8[%get3A_344, %get3A_345] {strides = array<i32>} : memref<104x64xf32, #tpu.memory_space<vmem>>, vector<1x16xf32>,
        %get3A_347 = vector.shape_cast %get3A_346 : vector<1x16xf32> to vector<16xf32>
        %add3A_348 = arith.addf %get3A_347, %get3A_318 : vector<16xf32>
        %swap3A_349 = arith.index_cast %add3A_324 : i32 to index
        %swap3A_350 = arith.constant 32 : index
        %swap3A_351 = tpu.vector_load %arg8[%swap3A_349, %swap3A_350] {strides = array<i32>} : memref<104x64xf32, #tpu.memory_space<vmem>>, vector<1x16xf32>,
        %swap3A_352 = vector.shape_cast %swap3A_351 : vector<1x16xf32> to vector<16xf32>
        %swap3A_353 = vector.shape_cast %add3A_348 : vector<16xf32> to vector<1x16xf32>
        tpu.vector_store %arg8[%swap3A_349, %swap3A_350], %swap3A_353 {strides = array<i32>} : memref<104x64xf32, #tpu.memory_space<vmem>>, vector<1x16xf32>,
        %get3A_354 = arith.index_cast %add3A_324 : i32 to index
        %get3A_355 = arith.constant 48 : index
        %get3A_356 = tpu.vector_load %arg8[%get3A_354, %get3A_355] {strides = array<i32>} : memref<104x64xf32, #tpu.memory_space<vmem>>, vector<1x16xf32>,
        %get3A_357 = vector.shape_cast %get3A_356 : vector<1x16xf32> to vector<16xf32>
        %add3A_358 = arith.addf %get3A_357, %get3A_322 : vector<16xf32>
        %swap3A_359 = arith.index_cast %add3A_324 : i32 to index
        %swap3A_360 = arith.constant 48 : index
        %swap3A_361 = tpu.vector_load %arg8[%swap3A_359, %swap3A_360] {strides = array<i32>} : memref<104x64xf32, #tpu.memory_space<vmem>>, vector<1x16xf32>,
        %swap3A_362 = vector.shape_cast %swap3A_361 : vector<1x16xf32> to vector<16xf32>
        %swap3A_363 = vector.shape_cast %add3A_358 : vector<16xf32> to vector<1x16xf32>
        tpu.vector_store %arg8[%swap3A_359, %swap3A_360], %swap3A_363 {strides = array<i32>} : memref<104x64xf32, #tpu.memory_space<vmem>>, vector<1x16xf32>,
        %add3A_364 = arith.constant 50 : i32
        %add3A_365 = arith.addi %add3A_364, %scan3A_306 : i32
        %get3A_366 = arith.index_cast %add3A_365 : i32 to index
        %get3A_367 = arith.constant 0 : index
        %get3A_368 = tpu.vector_load %arg8[%get3A_366, %get3A_367] {strides = array<i32>} : memref<104x64xf32, #tpu.memory_space<vmem>>, vector<1x16xf32>,
        %get3A_369 = vector.shape_cast %get3A_368 : vector<1x16xf32> to vector<16xf32>
        %add3A_370 = arith.addf %get3A_369, %get3A_310 : vector<16xf32>
        %swap3A_371 = arith.index_cast %add3A_365 : i32 to index
        %swap3A_372 = arith.constant 0 : index
        %swap3A_373 = tpu.vector_load %arg8[%swap3A_371, %swap3A_372] {strides = array<i32>} : memref<104x64xf32, #tpu.memory_space<vmem>>, vector<1x16xf32>,
        %swap3A_374 = vector.shape_cast %swap3A_373 : vector<1x16xf32> to vector<16xf32>
        %swap3A_375 = vector.shape_cast %add3A_370 : vector<16xf32> to vector<1x16xf32>
        tpu.vector_store %arg8[%swap3A_371, %swap3A_372], %swap3A_375 {strides = array<i32>} : memref<104x64xf32, #tpu.memory_space<vmem>>, vector<1x16xf32>,
        %get3A_376 = arith.index_cast %add3A_365 : i32 to index
        %get3A_377 = arith.constant 16 : index
        %get3A_378 = tpu.vector_load %arg8[%get3A_376, %get3A_377] {strides = array<i32>} : memref<104x64xf32, #tpu.memory_space<vmem>>, vector<1x16xf32>,
        %get3A_379 = vector.shape_cast %get3A_378 : vector<1x16xf32> to vector<16xf32>
        %add3A_380 = arith.addf %get3A_379, %get3A_314 : vector<16xf32>
        %swap3A_381 = arith.index_cast %add3A_365 : i32 to index
        %swap3A_382 = arith.constant 16 : index
        %swap3A_383 = tpu.vector_load %arg8[%swap3A_381, %swap3A_382] {strides = array<i32>} : memref<104x64xf32, #tpu.memory_space<vmem>>, vector<1x16xf32>,
        %swap3A_384 = vector.shape_cast %swap3A_383 : vector<1x16xf32> to vector<16xf32>
        %swap3A_385 = vector.shape_cast %add3A_380 : vector<16xf32> to vector<1x16xf32>
        tpu.vector_store %arg8[%swap3A_381, %swap3A_382], %swap3A_385 {strides = array<i32>} : memref<104x64xf32, #tpu.memory_space<vmem>>, vector<1x16xf32>,
        %get3A_386 = arith.index_cast %add3A_365 : i32 to index
        %get3A_387 = arith.constant 32 : index
        %get3A_388 = tpu.vector_load %arg8[%get3A_386, %get3A_387] {strides = array<i32>} : memref<104x64xf32, #tpu.memory_space<vmem>>, vector<1x16xf32>,
        %get3A_389 = vector.shape_cast %get3A_388 : vector<1x16xf32> to vector<16xf32>
        %add3A_390 = arith.addf %get3A_389, %get3A_318 : vector<16xf32>
        %swap3A_391 = arith.index_cast %add3A_365 : i32 to index
        %swap3A_392 = arith.constant 32 : index
        %swap3A_393 = tpu.vector_load %arg8[%swap3A_391, %swap3A_392] {strides = array<i32>} : memref<104x64xf32, #tpu.memory_space<vmem>>, vector<1x16xf32>,
        %swap3A_394 = vector.shape_cast %swap3A_393 : vector<1x16xf32> to vector<16xf32>
        %swap3A_395 = vector.shape_cast %add3A_390 : vector<16xf32> to vector<1x16xf32>
        tpu.vector_store %arg8[%swap3A_391, %swap3A_392], %swap3A_395 {strides = array<i32>} : memref<104x64xf32, #tpu.memory_space<vmem>>, vector<1x16xf32>,
        %get3A_396 = arith.index_cast %add3A_365 : i32 to index
        %get3A_397 = arith.constant 48 : index
        %get3A_398 = tpu.vector_load %arg8[%get3A_396, %get3A_397] {strides = array<i32>} : memref<104x64xf32, #tpu.memory_space<vmem>>, vector<1x16xf32>,
        %get3A_399 = vector.shape_cast %get3A_398 : vector<1x16xf32> to vector<16xf32>
        %add3A_400 = arith.addf %get3A_399, %get3A_322 : vector<16xf32>
        %swap3A_401 = arith.index_cast %add3A_365 : i32 to index
        %swap3A_402 = arith.constant 48 : index
        %swap3A_403 = tpu.vector_load %arg8[%swap3A_401, %swap3A_402] {strides = array<i32>} : memref<104x64xf32, #tpu.memory_space<vmem>>, vector<1x16xf32>,
        %swap3A_404 = vector.shape_cast %swap3A_403 : vector<1x16xf32> to vector<16xf32>
        %swap3A_405 = vector.shape_cast %add3A_400 : vector<16xf32> to vector<1x16xf32>
        tpu.vector_store %arg8[%swap3A_401, %swap3A_402], %swap3A_405 {strides = array<i32>} : memref<104x64xf32, #tpu.memory_space<vmem>>, vector<1x16xf32>,
        %scan3A_406 = arith.constant 0 : i32
        scf.yield %scan3A_406 : i32
      }
      %scan3A_182 = arith.constant 50 : i32
      %mul3A_183 = arith.constant 64 : i32
      %mul3A_184 = arith.muli %add3A, %mul3A_183 : i32
      %add3A_185 = arith.addi %mul3A_184, %add3A_155 : i32
      %mul3A_186 = arith.constant 104 : i32
      %mul3A_187 = arith.muli %add3A_185, %mul3A_186 : i32
      %dma_start3A_188 = arith.constant 0 : i32
      %dma_start3A_189 = tpu.memref_slice %arg5[%mul3A_187, %dma_start3A_188] : memref<212992x64xf32, #tpu.memory_space<hbm>> -> memref<104x64xf32, #tpu.memory_space<hbm>>
      %dma_start3A_190 = arith.constant 0 : i32
      %dma_start3A_191 = tpu.memref_slice %arg5[%mul3A_187, %dma_start3A_190] : memref<212992x64xf32, #tpu.memory_space<hbm>> -> memref<104x64xf32, #tpu.memory_space<hbm>>
      tpu.enqueue_dma source(%arg8 : memref<104x64xf32, #tpu.memory_space<vmem>>) target(%dma_start3A_191 : memref<104x64xf32, #tpu.memory_space<hbm>>) target_semaphore(%arg17 : memref<!tpu.dma_semaphore, #tpu.memory_space<semaphore_mem>>)
      %add3A_192 = arith.constant 1 : i32
      %add3A_193 = arith.addi %add3A_153, %add3A_192 : i32
      %dma_wait3A_194 = arith.constant 0 : i32
      %dma_wait3A_195 = arith.constant 0 : i32
      %dma_wait3A_196 = tpu.memref_slice %arg3[%dma_wait3A_194, %dma_wait3A_195] : memref<1000000x64xf32, #tpu.memory_space<hbm>> -> memref<104x64xf32, #tpu.memory_space<hbm>>
      %dma_wait3A_197 = arith.constant 0 : i32
      %dma_wait3A_198 = arith.constant 0 : i32
      %dma_wait3A_199 = tpu.memref_slice %arg3[%dma_wait3A_197, %dma_wait3A_198] : memref<1000000x64xf32, #tpu.memory_space<hbm>> -> memref<104x64xf32, #tpu.memory_space<hbm>>
      tpu.wait_dma2 semaphore(%arg14 : memref<!tpu.dma_semaphore, #tpu.memory_space<semaphore_mem>>) src(%dma_wait3A_199 : memref<104x64xf32, #tpu.memory_space<hbm>>) dst(%arg9 : memref<104x64xf32, #tpu.memory_space<vmem>>)
      %dma_wait3A_200 = arith.constant 0 : i32
      %dma_wait3A_201 = arith.constant 0 : i32
      %dma_wait3A_202 = tpu.memref_slice %arg3[%dma_wait3A_200, %dma_wait3A_201] : memref<1000000x64xf32, #tpu.memory_space<hbm>> -> memref<104x64xf32, #tpu.memory_space<hbm>>
      %dma_wait3A_203 = arith.constant 0 : i32
      %dma_wait3A_204 = arith.constant 0 : i32
      %dma_wait3A_205 = tpu.memref_slice %arg3[%dma_wait3A_203, %dma_wait3A_204] : memref<1000000x64xf32, #tpu.memory_space<hbm>> -> memref<104x64xf32, #tpu.memory_space<hbm>>
      tpu.wait_dma2 semaphore(%arg17 : memref<!tpu.dma_semaphore, #tpu.memory_space<semaphore_mem>>) src(%dma_wait3A_205 : memref<104x64xf32, #tpu.memory_space<hbm>>) dst(%arg8 : memref<104x64xf32, #tpu.memory_space<vmem>>)
      %add3A_206 = arith.constant 3 : i32
      %add3A_207 = arith.addi %add3A_193, %add3A_206 : i32
      %dma_start3A_208 = arith.constant 0 : i32
      %dma_start3A_209 = tpu.memref_slice %arg6[%add3A_207, %dma_start3A_208] : memref<64x104xi32, #tpu.memory_space<vmem>> -> memref<1x104xi32, #tpu.memory_space<vmem>>
      %dma_start3A_210 = tpu.memref_squeeze %dma_start3A_209 : memref<1x104xi32, #tpu.memory_space<vmem>> -> memref<104xi32, #tpu.memory_space<vmem>>
      %dma_start3A_211 = arith.constant 0 : i32
      %dma_start3A_212 = arith.constant 0 : i32
      %dma_start3A_213 = tpu.memref_slice %arg3[%dma_start3A_211, %dma_start3A_212] : memref<1000000x64xf32, #tpu.memory_space<hbm>> -> memref<1000000x64xf32, #tpu.memory_space<hbm>>
      tpu.enqueue_indirect_dma source(%dma_start3A_213 : memref<1000000x64xf32, #tpu.memory_space<hbm>>) target(%arg8 : memref<104x64xf32, #tpu.memory_space<vmem>>) offsets(%dma_start3A_210 : memref<104xi32, #tpu.memory_space<vmem>>) semaphore(%arg13 : memref<!tpu.dma_semaphore, #tpu.memory_space<semaphore_mem>>)
      %scan3A_214 = arith.constant 0 : i32
      %scan3A_215 = arith.constant 0 : i32
      %scan3A_216 = arith.constant 50 : i32
      %scan3A_217 = arith.addi %scan3A_215, %scan3A_216 : i32
      %scan3A_218 = arith.constant 1 : i32
      %scan3A_219 = scf.for %scan3A_306 = %scan3A_215 to %scan3A_217 step %scan3A_218 iter_args(%scan3A_307 = %scan3A_214) -> (i32)  : i32 {
        %get3A = arith.index_cast %scan3A_306 : i32 to index
        %get3A_308 = arith.constant 0 : index
        %get3A_309 = tpu.vector_load %arg11[%get3A, %get3A_308] {strides = array<i32>} : memref<50x64xf32, #tpu.memory_space<vmem>>, vector<1x16xf32>,
        %get3A_310 = vector.shape_cast %get3A_309 : vector<1x16xf32> to vector<16xf32>
        %get3A_311 = arith.index_cast %scan3A_306 : i32 to index
        %get3A_312 = arith.constant 16 : index
        %get3A_313 = tpu.vector_load %arg11[%get3A_311, %get3A_312] {strides = array<i32>} : memref<50x64xf32, #tpu.memory_space<vmem>>, vector<1x16xf32>,
        %get3A_314 = vector.shape_cast %get3A_313 : vector<1x16xf32> to vector<16xf32>
        %get3A_315 = arith.index_cast %scan3A_306 : i32 to index
        %get3A_316 = arith.constant 32 : index
        %get3A_317 = tpu.vector_load %arg11[%get3A_315, %get3A_316] {strides = array<i32>} : memref<50x64xf32, #tpu.memory_space<vmem>>, vector<1x16xf32>,
        %get3A_318 = vector.shape_cast %get3A_317 : vector<1x16xf32> to vector<16xf32>
        %get3A_319 = arith.index_cast %scan3A_306 : i32 to index
        %get3A_320 = arith.constant 48 : index
        %get3A_321 = tpu.vector_load %arg11[%get3A_319, %get3A_320] {strides = array<i32>} : memref<50x64xf32, #tpu.memory_space<vmem>>, vector<1x16xf32>,
        %get3A_322 = vector.shape_cast %get3A_321 : vector<1x16xf32> to vector<16xf32>
        %add3A_323 = arith.constant 0 : i32
        %add3A_324 = arith.addi %add3A_323, %scan3A_306 : i32
        %get3A_325 = arith.index_cast %add3A_324 : i32 to index
        %get3A_326 = arith.constant 0 : index
        %get3A_327 = tpu.vector_load %arg9[%get3A_325, %get3A_326] {strides = array<i32>} : memref<104x64xf32, #tpu.memory_space<vmem>>, vector<1x16xf32>,
        %get3A_328 = vector.shape_cast %get3A_327 : vector<1x16xf32> to vector<16xf32>
        %add3A_329 = arith.addf %get3A_328, %get3A_310 : vector<16xf32>
        %swap3A = arith.index_cast %add3A_324 : i32 to index
        %swap3A_330 = arith.constant 0 : index
        %swap3A_331 = tpu.vector_load %arg9[%swap3A, %swap3A_330] {strides = array<i32>} : memref<104x64xf32, #tpu.memory_space<vmem>>, vector<1x16xf32>,
        %swap3A_332 = vector.shape_cast %swap3A_331 : vector<1x16xf32> to vector<16xf32>
        %swap3A_333 = vector.shape_cast %add3A_329 : vector<16xf32> to vector<1x16xf32>
        tpu.vector_store %arg9[%swap3A, %swap3A_330], %swap3A_333 {strides = array<i32>} : memref<104x64xf32, #tpu.memory_space<vmem>>, vector<1x16xf32>,
        %get3A_334 = arith.index_cast %add3A_324 : i32 to index
        %get3A_335 = arith.constant 16 : index
        %get3A_336 = tpu.vector_load %arg9[%get3A_334, %get3A_335] {strides = array<i32>} : memref<104x64xf32, #tpu.memory_space<vmem>>, vector<1x16xf32>,
        %get3A_337 = vector.shape_cast %get3A_336 : vector<1x16xf32> to vector<16xf32>
        %add3A_338 = arith.addf %get3A_337, %get3A_314 : vector<16xf32>
        %swap3A_339 = arith.index_cast %add3A_324 : i32 to index
        %swap3A_340 = arith.constant 16 : index
        %swap3A_341 = tpu.vector_load %arg9[%swap3A_339, %swap3A_340] {strides = array<i32>} : memref<104x64xf32, #tpu.memory_space<vmem>>, vector<1x16xf32>,
        %swap3A_342 = vector.shape_cast %swap3A_341 : vector<1x16xf32> to vector<16xf32>
        %swap3A_343 = vector.shape_cast %add3A_338 : vector<16xf32> to vector<1x16xf32>
        tpu.vector_store %arg9[%swap3A_339, %swap3A_340], %swap3A_343 {strides = array<i32>} : memref<104x64xf32, #tpu.memory_space<vmem>>, vector<1x16xf32>,
        %get3A_344 = arith.index_cast %add3A_324 : i32 to index
        %get3A_345 = arith.constant 32 : index
        %get3A_346 = tpu.vector_load %arg9[%get3A_344, %get3A_345] {strides = array<i32>} : memref<104x64xf32, #tpu.memory_space<vmem>>, vector<1x16xf32>,
        %get3A_347 = vector.shape_cast %get3A_346 : vector<1x16xf32> to vector<16xf32>
        %add3A_348 = arith.addf %get3A_347, %get3A_318 : vector<16xf32>
        %swap3A_349 = arith.index_cast %add3A_324 : i32 to index
        %swap3A_350 = arith.constant 32 : index
        %swap3A_351 = tpu.vector_load %arg9[%swap3A_349, %swap3A_350] {strides = array<i32>} : memref<104x64xf32, #tpu.memory_space<vmem>>, vector<1x16xf32>,
        %swap3A_352 = vector.shape_cast %swap3A_351 : vector<1x16xf32> to vector<16xf32>
        %swap3A_353 = vector.shape_cast %add3A_348 : vector<16xf32> to vector<1x16xf32>
        tpu.vector_store %arg9[%swap3A_349, %swap3A_350], %swap3A_353 {strides = array<i32>} : memref<104x64xf32, #tpu.memory_space<vmem>>, vector<1x16xf32>,
        %get3A_354 = arith.index_cast %add3A_324 : i32 to index
        %get3A_355 = arith.constant 48 : index
        %get3A_356 = tpu.vector_load %arg9[%get3A_354, %get3A_355] {strides = array<i32>} : memref<104x64xf32, #tpu.memory_space<vmem>>, vector<1x16xf32>,
        %get3A_357 = vector.shape_cast %get3A_356 : vector<1x16xf32> to vector<16xf32>
        %add3A_358 = arith.addf %get3A_357, %get3A_322 : vector<16xf32>
        %swap3A_359 = arith.index_cast %add3A_324 : i32 to index
        %swap3A_360 = arith.constant 48 : index
        %swap3A_361 = tpu.vector_load %arg9[%swap3A_359, %swap3A_360] {strides = array<i32>} : memref<104x64xf32, #tpu.memory_space<vmem>>, vector<1x16xf32>,
        %swap3A_362 = vector.shape_cast %swap3A_361 : vector<1x16xf32> to vector<16xf32>
        %swap3A_363 = vector.shape_cast %add3A_358 : vector<16xf32> to vector<1x16xf32>
        tpu.vector_store %arg9[%swap3A_359, %swap3A_360], %swap3A_363 {strides = array<i32>} : memref<104x64xf32, #tpu.memory_space<vmem>>, vector<1x16xf32>,
        %add3A_364 = arith.constant 50 : i32
        %add3A_365 = arith.addi %add3A_364, %scan3A_306 : i32
        %get3A_366 = arith.index_cast %add3A_365 : i32 to index
        %get3A_367 = arith.constant 0 : index
        %get3A_368 = tpu.vector_load %arg9[%get3A_366, %get3A_367] {strides = array<i32>} : memref<104x64xf32, #tpu.memory_space<vmem>>, vector<1x16xf32>,
        %get3A_369 = vector.shape_cast %get3A_368 : vector<1x16xf32> to vector<16xf32>
        %add3A_370 = arith.addf %get3A_369, %get3A_310 : vector<16xf32>
        %swap3A_371 = arith.index_cast %add3A_365 : i32 to index
        %swap3A_372 = arith.constant 0 : index
        %swap3A_373 = tpu.vector_load %arg9[%swap3A_371, %swap3A_372] {strides = array<i32>} : memref<104x64xf32, #tpu.memory_space<vmem>>, vector<1x16xf32>,
        %swap3A_374 = vector.shape_cast %swap3A_373 : vector<1x16xf32> to vector<16xf32>
        %swap3A_375 = vector.shape_cast %add3A_370 : vector<16xf32> to vector<1x16xf32>
        tpu.vector_store %arg9[%swap3A_371, %swap3A_372], %swap3A_375 {strides = array<i32>} : memref<104x64xf32, #tpu.memory_space<vmem>>, vector<1x16xf32>,
        %get3A_376 = arith.index_cast %add3A_365 : i32 to index
        %get3A_377 = arith.constant 16 : index
        %get3A_378 = tpu.vector_load %arg9[%get3A_376, %get3A_377] {strides = array<i32>} : memref<104x64xf32, #tpu.memory_space<vmem>>, vector<1x16xf32>,
        %get3A_379 = vector.shape_cast %get3A_378 : vector<1x16xf32> to vector<16xf32>
        %add3A_380 = arith.addf %get3A_379, %get3A_314 : vector<16xf32>
        %swap3A_381 = arith.index_cast %add3A_365 : i32 to index
        %swap3A_382 = arith.constant 16 : index
        %swap3A_383 = tpu.vector_load %arg9[%swap3A_381, %swap3A_382] {strides = array<i32>} : memref<104x64xf32, #tpu.memory_space<vmem>>, vector<1x16xf32>,
        %swap3A_384 = vector.shape_cast %swap3A_383 : vector<1x16xf32> to vector<16xf32>
        %swap3A_385 = vector.shape_cast %add3A_380 : vector<16xf32> to vector<1x16xf32>
        tpu.vector_store %arg9[%swap3A_381, %swap3A_382], %swap3A_385 {strides = array<i32>} : memref<104x64xf32, #tpu.memory_space<vmem>>, vector<1x16xf32>,
        %get3A_386 = arith.index_cast %add3A_365 : i32 to index
        %get3A_387 = arith.constant 32 : index
        %get3A_388 = tpu.vector_load %arg9[%get3A_386, %get3A_387] {strides = array<i32>} : memref<104x64xf32, #tpu.memory_space<vmem>>, vector<1x16xf32>,
        %get3A_389 = vector.shape_cast %get3A_388 : vector<1x16xf32> to vector<16xf32>
        %add3A_390 = arith.addf %get3A_389, %get3A_318 : vector<16xf32>
        %swap3A_391 = arith.index_cast %add3A_365 : i32 to index
        %swap3A_392 = arith.constant 32 : index
        %swap3A_393 = tpu.vector_load %arg9[%swap3A_391, %swap3A_392] {strides = array<i32>} : memref<104x64xf32, #tpu.memory_space<vmem>>, vector<1x16xf32>,
        %swap3A_394 = vector.shape_cast %swap3A_393 : vector<1x16xf32> to vector<16xf32>
        %swap3A_395 = vector.shape_cast %add3A_390 : vector<16xf32> to vector<1x16xf32>
        tpu.vector_store %arg9[%swap3A_391, %swap3A_392], %swap3A_395 {strides = array<i32>} : memref<104x64xf32, #tpu.memory_space<vmem>>, vector<1x16xf32>,
        %get3A_396 = arith.index_cast %add3A_365 : i32 to index
        %get3A_397 = arith.constant 48 : index
        %get3A_398 = tpu.vector_load %arg9[%get3A_396, %get3A_397] {strides = array<i32>} : memref<104x64xf32, #tpu.memory_space<vmem>>, vector<1x16xf32>,
        %get3A_399 = vector.shape_cast %get3A_398 : vector<1x16xf32> to vector<16xf32>
        %add3A_400 = arith.addf %get3A_399, %get3A_322 : vector<16xf32>
        %swap3A_401 = arith.index_cast %add3A_365 : i32 to index
        %swap3A_402 = arith.constant 48 : index
        %swap3A_403 = tpu.vector_load %arg9[%swap3A_401, %swap3A_402] {strides = array<i32>} : memref<104x64xf32, #tpu.memory_space<vmem>>, vector<1x16xf32>,
        %swap3A_404 = vector.shape_cast %swap3A_403 : vector<1x16xf32> to vector<16xf32>
        %swap3A_405 = vector.shape_cast %add3A_400 : vector<16xf32> to vector<1x16xf32>
        tpu.vector_store %arg9[%swap3A_401, %swap3A_402], %swap3A_405 {strides = array<i32>} : memref<104x64xf32, #tpu.memory_space<vmem>>, vector<1x16xf32>,
        %scan3A_406 = arith.constant 0 : i32
        scf.yield %scan3A_406 : i32
      }
      %scan3A_220 = arith.constant 50 : i32
      %mul3A_221 = arith.constant 64 : i32
      %mul3A_222 = arith.muli %add3A, %mul3A_221 : i32
      %add3A_223 = arith.addi %mul3A_222, %add3A_193 : i32
      %mul3A_224 = arith.constant 104 : i32
      %mul3A_225 = arith.muli %add3A_223, %mul3A_224 : i32
      %dma_start3A_226 = arith.constant 0 : i32
      %dma_start3A_227 = tpu.memref_slice %arg5[%mul3A_225, %dma_start3A_226] : memref<212992x64xf32, #tpu.memory_space<hbm>> -> memref<104x64xf32, #tpu.memory_space<hbm>>
      %dma_start3A_228 = arith.constant 0 : i32
      %dma_start3A_229 = tpu.memref_slice %arg5[%mul3A_225, %dma_start3A_228] : memref<212992x64xf32, #tpu.memory_space<hbm>> -> memref<104x64xf32, #tpu.memory_space<hbm>>
      tpu.enqueue_dma source(%arg9 : memref<104x64xf32, #tpu.memory_space<vmem>>) target(%dma_start3A_229 : memref<104x64xf32, #tpu.memory_space<hbm>>) target_semaphore(%arg18 : memref<!tpu.dma_semaphore, #tpu.memory_space<semaphore_mem>>)
      %add3A_230 = arith.constant 2 : i32
      %add3A_231 = arith.addi %add3A_153, %add3A_230 : i32
      %dma_wait3A_232 = arith.constant 0 : i32
      %dma_wait3A_233 = arith.constant 0 : i32
      %dma_wait3A_234 = tpu.memref_slice %arg3[%dma_wait3A_232, %dma_wait3A_233] : memref<1000000x64xf32, #tpu.memory_space<hbm>> -> memref<104x64xf32, #tpu.memory_space<hbm>>
      %dma_wait3A_235 = arith.constant 0 : i32
      %dma_wait3A_236 = arith.constant 0 : i32
      %dma_wait3A_237 = tpu.memref_slice %arg3[%dma_wait3A_235, %dma_wait3A_236] : memref<1000000x64xf32, #tpu.memory_space<hbm>> -> memref<104x64xf32, #tpu.memory_space<hbm>>
      tpu.wait_dma2 semaphore(%arg15 : memref<!tpu.dma_semaphore, #tpu.memory_space<semaphore_mem>>) src(%dma_wait3A_237 : memref<104x64xf32, #tpu.memory_space<hbm>>) dst(%arg10 : memref<104x64xf32, #tpu.memory_space<vmem>>)
      %dma_wait3A_238 = arith.constant 0 : i32
      %dma_wait3A_239 = arith.constant 0 : i32
      %dma_wait3A_240 = tpu.memref_slice %arg3[%dma_wait3A_238, %dma_wait3A_239] : memref<1000000x64xf32, #tpu.memory_space<hbm>> -> memref<104x64xf32, #tpu.memory_space<hbm>>
      %dma_wait3A_241 = arith.constant 0 : i32
      %dma_wait3A_242 = arith.constant 0 : i32
      %dma_wait3A_243 = tpu.memref_slice %arg3[%dma_wait3A_241, %dma_wait3A_242] : memref<1000000x64xf32, #tpu.memory_space<hbm>> -> memref<104x64xf32, #tpu.memory_space<hbm>>
      tpu.wait_dma2 semaphore(%arg18 : memref<!tpu.dma_semaphore, #tpu.memory_space<semaphore_mem>>) src(%dma_wait3A_243 : memref<104x64xf32, #tpu.memory_space<hbm>>) dst(%arg9 : memref<104x64xf32, #tpu.memory_space<vmem>>)
      %add3A_244 = arith.constant 3 : i32
      %add3A_245 = arith.addi %add3A_231, %add3A_244 : i32
      %dma_start3A_246 = arith.constant 0 : i32
      %dma_start3A_247 = tpu.memref_slice %arg6[%add3A_245, %dma_start3A_246] : memref<64x104xi32, #tpu.memory_space<vmem>> -> memref<1x104xi32, #tpu.memory_space<vmem>>
      %dma_start3A_248 = tpu.memref_squeeze %dma_start3A_247 : memref<1x104xi32, #tpu.memory_space<vmem>> -> memref<104xi32, #tpu.memory_space<vmem>>
      %dma_start3A_249 = arith.constant 0 : i32
      %dma_start3A_250 = arith.constant 0 : i32
      %dma_start3A_251 = tpu.memref_slice %arg3[%dma_start3A_249, %dma_start3A_250] : memref<1000000x64xf32, #tpu.memory_space<hbm>> -> memref<1000000x64xf32, #tpu.memory_space<hbm>>
      tpu.enqueue_indirect_dma source(%dma_start3A_251 : memref<1000000x64xf32, #tpu.memory_space<hbm>>) target(%arg9 : memref<104x64xf32, #tpu.memory_space<vmem>>) offsets(%dma_start3A_248 : memref<104xi32, #tpu.memory_space<vmem>>) semaphore(%arg14 : memref<!tpu.dma_semaphore, #tpu.memory_space<semaphore_mem>>)
      %scan3A_252 = arith.constant 0 : i32
      %scan3A_253 = arith.constant 0 : i32
      %scan3A_254 = arith.constant 50 : i32
      %scan3A_255 = arith.addi %scan3A_253, %scan3A_254 : i32
      %scan3A_256 = arith.constant 1 : i32
      %scan3A_257 = scf.for %scan3A_306 = %scan3A_253 to %scan3A_255 step %scan3A_256 iter_args(%scan3A_307 = %scan3A_252) -> (i32)  : i32 {
        %get3A = arith.index_cast %scan3A_306 : i32 to index
        %get3A_308 = arith.constant 0 : index
        %get3A_309 = tpu.vector_load %arg11[%get3A, %get3A_308] {strides = array<i32>} : memref<50x64xf32, #tpu.memory_space<vmem>>, vector<1x16xf32>,
        %get3A_310 = vector.shape_cast %get3A_309 : vector<1x16xf32> to vector<16xf32>
        %get3A_311 = arith.index_cast %scan3A_306 : i32 to index
        %get3A_312 = arith.constant 16 : index
        %get3A_313 = tpu.vector_load %arg11[%get3A_311, %get3A_312] {strides = array<i32>} : memref<50x64xf32, #tpu.memory_space<vmem>>, vector<1x16xf32>,
        %get3A_314 = vector.shape_cast %get3A_313 : vector<1x16xf32> to vector<16xf32>
        %get3A_315 = arith.index_cast %scan3A_306 : i32 to index
        %get3A_316 = arith.constant 32 : index
        %get3A_317 = tpu.vector_load %arg11[%get3A_315, %get3A_316] {strides = array<i32>} : memref<50x64xf32, #tpu.memory_space<vmem>>, vector<1x16xf32>,
        %get3A_318 = vector.shape_cast %get3A_317 : vector<1x16xf32> to vector<16xf32>
        %get3A_319 = arith.index_cast %scan3A_306 : i32 to index
        %get3A_320 = arith.constant 48 : index
        %get3A_321 = tpu.vector_load %arg11[%get3A_319, %get3A_320] {strides = array<i32>} : memref<50x64xf32, #tpu.memory_space<vmem>>, vector<1x16xf32>,
        %get3A_322 = vector.shape_cast %get3A_321 : vector<1x16xf32> to vector<16xf32>
        %add3A_323 = arith.constant 0 : i32
        %add3A_324 = arith.addi %add3A_323, %scan3A_306 : i32
        %get3A_325 = arith.index_cast %add3A_324 : i32 to index
        %get3A_326 = arith.constant 0 : index
        %get3A_327 = tpu.vector_load %arg10[%get3A_325, %get3A_326] {strides = array<i32>} : memref<104x64xf32, #tpu.memory_space<vmem>>, vector<1x16xf32>,
        %get3A_328 = vector.shape_cast %get3A_327 : vector<1x16xf32> to vector<16xf32>
        %add3A_329 = arith.addf %get3A_328, %get3A_310 : vector<16xf32>
        %swap3A = arith.index_cast %add3A_324 : i32 to index
        %swap3A_330 = arith.constant 0 : index
        %swap3A_331 = tpu.vector_load %arg10[%swap3A, %swap3A_330] {strides = array<i32>} : memref<104x64xf32, #tpu.memory_space<vmem>>, vector<1x16xf32>,
        %swap3A_332 = vector.shape_cast %swap3A_331 : vector<1x16xf32> to vector<16xf32>
        %swap3A_333 = vector.shape_cast %add3A_329 : vector<16xf32> to vector<1x16xf32>
        tpu.vector_store %arg10[%swap3A, %swap3A_330], %swap3A_333 {strides = array<i32>} : memref<104x64xf32, #tpu.memory_space<vmem>>, vector<1x16xf32>,
        %get3A_334 = arith.index_cast %add3A_324 : i32 to index
        %get3A_335 = arith.constant 16 : index
        %get3A_336 = tpu.vector_load %arg10[%get3A_334, %get3A_335] {strides = array<i32>} : memref<104x64xf32, #tpu.memory_space<vmem>>, vector<1x16xf32>,
        %get3A_337 = vector.shape_cast %get3A_336 : vector<1x16xf32> to vector<16xf32>
        %add3A_338 = arith.addf %get3A_337, %get3A_314 : vector<16xf32>
        %swap3A_339 = arith.index_cast %add3A_324 : i32 to index
        %swap3A_340 = arith.constant 16 : index
        %swap3A_341 = tpu.vector_load %arg10[%swap3A_339, %swap3A_340] {strides = array<i32>} : memref<104x64xf32, #tpu.memory_space<vmem>>, vector<1x16xf32>,
        %swap3A_342 = vector.shape_cast %swap3A_341 : vector<1x16xf32> to vector<16xf32>
        %swap3A_343 = vector.shape_cast %add3A_338 : vector<16xf32> to vector<1x16xf32>
        tpu.vector_store %arg10[%swap3A_339, %swap3A_340], %swap3A_343 {strides = array<i32>} : memref<104x64xf32, #tpu.memory_space<vmem>>, vector<1x16xf32>,
        %get3A_344 = arith.index_cast %add3A_324 : i32 to index
        %get3A_345 = arith.constant 32 : index
        %get3A_346 = tpu.vector_load %arg10[%get3A_344, %get3A_345] {strides = array<i32>} : memref<104x64xf32, #tpu.memory_space<vmem>>, vector<1x16xf32>,
        %get3A_347 = vector.shape_cast %get3A_346 : vector<1x16xf32> to vector<16xf32>
        %add3A_348 = arith.addf %get3A_347, %get3A_318 : vector<16xf32>
        %swap3A_349 = arith.index_cast %add3A_324 : i32 to index
        %swap3A_350 = arith.constant 32 : index
        %swap3A_351 = tpu.vector_load %arg10[%swap3A_349, %swap3A_350] {strides = array<i32>} : memref<104x64xf32, #tpu.memory_space<vmem>>, vector<1x16xf32>,
        %swap3A_352 = vector.shape_cast %swap3A_351 : vector<1x16xf32> to vector<16xf32>
        %swap3A_353 = vector.shape_cast %add3A_348 : vector<16xf32> to vector<1x16xf32>
        tpu.vector_store %arg10[%swap3A_349, %swap3A_350], %swap3A_353 {strides = array<i32>} : memref<104x64xf32, #tpu.memory_space<vmem>>, vector<1x16xf32>,
        %get3A_354 = arith.index_cast %add3A_324 : i32 to index
        %get3A_355 = arith.constant 48 : index
        %get3A_356 = tpu.vector_load %arg10[%get3A_354, %get3A_355] {strides = array<i32>} : memref<104x64xf32, #tpu.memory_space<vmem>>, vector<1x16xf32>,
        %get3A_357 = vector.shape_cast %get3A_356 : vector<1x16xf32> to vector<16xf32>
        %add3A_358 = arith.addf %get3A_357, %get3A_322 : vector<16xf32>
        %swap3A_359 = arith.index_cast %add3A_324 : i32 to index
        %swap3A_360 = arith.constant 48 : index
        %swap3A_361 = tpu.vector_load %arg10[%swap3A_359, %swap3A_360] {strides = array<i32>} : memref<104x64xf32, #tpu.memory_space<vmem>>, vector<1x16xf32>,
        %swap3A_362 = vector.shape_cast %swap3A_361 : vector<1x16xf32> to vector<16xf32>
        %swap3A_363 = vector.shape_cast %add3A_358 : vector<16xf32> to vector<1x16xf32>
        tpu.vector_store %arg10[%swap3A_359, %swap3A_360], %swap3A_363 {strides = array<i32>} : memref<104x64xf32, #tpu.memory_space<vmem>>, vector<1x16xf32>,
        %add3A_364 = arith.constant 50 : i32
        %add3A_365 = arith.addi %add3A_364, %scan3A_306 : i32
        %get3A_366 = arith.index_cast %add3A_365 : i32 to index
        %get3A_367 = arith.constant 0 : index
        %get3A_368 = tpu.vector_load %arg10[%get3A_366, %get3A_367] {strides = array<i32>} : memref<104x64xf32, #tpu.memory_space<vmem>>, vector<1x16xf32>,
        %get3A_369 = vector.shape_cast %get3A_368 : vector<1x16xf32> to vector<16xf32>
        %add3A_370 = arith.addf %get3A_369, %get3A_310 : vector<16xf32>
        %swap3A_371 = arith.index_cast %add3A_365 : i32 to index
        %swap3A_372 = arith.constant 0 : index
        %swap3A_373 = tpu.vector_load %arg10[%swap3A_371, %swap3A_372] {strides = array<i32>} : memref<104x64xf32, #tpu.memory_space<vmem>>, vector<1x16xf32>,
        %swap3A_374 = vector.shape_cast %swap3A_373 : vector<1x16xf32> to vector<16xf32>
        %swap3A_375 = vector.shape_cast %add3A_370 : vector<16xf32> to vector<1x16xf32>
        tpu.vector_store %arg10[%swap3A_371, %swap3A_372], %swap3A_375 {strides = array<i32>} : memref<104x64xf32, #tpu.memory_space<vmem>>, vector<1x16xf32>,
        %get3A_376 = arith.index_cast %add3A_365 : i32 to index
        %get3A_377 = arith.constant 16 : index
        %get3A_378 = tpu.vector_load %arg10[%get3A_376, %get3A_377] {strides = array<i32>} : memref<104x64xf32, #tpu.memory_space<vmem>>, vector<1x16xf32>,
        %get3A_379 = vector.shape_cast %get3A_378 : vector<1x16xf32> to vector<16xf32>
        %add3A_380 = arith.addf %get3A_379, %get3A_314 : vector<16xf32>
        %swap3A_381 = arith.index_cast %add3A_365 : i32 to index
        %swap3A_382 = arith.constant 16 : index
        %swap3A_383 = tpu.vector_load %arg10[%swap3A_381, %swap3A_382] {strides = array<i32>} : memref<104x64xf32, #tpu.memory_space<vmem>>, vector<1x16xf32>,
        %swap3A_384 = vector.shape_cast %swap3A_383 : vector<1x16xf32> to vector<16xf32>
        %swap3A_385 = vector.shape_cast %add3A_380 : vector<16xf32> to vector<1x16xf32>
        tpu.vector_store %arg10[%swap3A_381, %swap3A_382], %swap3A_385 {strides = array<i32>} : memref<104x64xf32, #tpu.memory_space<vmem>>, vector<1x16xf32>,
        %get3A_386 = arith.index_cast %add3A_365 : i32 to index
        %get3A_387 = arith.constant 32 : index
        %get3A_388 = tpu.vector_load %arg10[%get3A_386, %get3A_387] {strides = array<i32>} : memref<104x64xf32, #tpu.memory_space<vmem>>, vector<1x16xf32>,
        %get3A_389 = vector.shape_cast %get3A_388 : vector<1x16xf32> to vector<16xf32>
        %add3A_390 = arith.addf %get3A_389, %get3A_318 : vector<16xf32>
        %swap3A_391 = arith.index_cast %add3A_365 : i32 to index
        %swap3A_392 = arith.constant 32 : index
        %swap3A_393 = tpu.vector_load %arg10[%swap3A_391, %swap3A_392] {strides = array<i32>} : memref<104x64xf32, #tpu.memory_space<vmem>>, vector<1x16xf32>,
        %swap3A_394 = vector.shape_cast %swap3A_393 : vector<1x16xf32> to vector<16xf32>
        %swap3A_395 = vector.shape_cast %add3A_390 : vector<16xf32> to vector<1x16xf32>
        tpu.vector_store %arg10[%swap3A_391, %swap3A_392], %swap3A_395 {strides = array<i32>} : memref<104x64xf32, #tpu.memory_space<vmem>>, vector<1x16xf32>,
        %get3A_396 = arith.index_cast %add3A_365 : i32 to index
        %get3A_397 = arith.constant 48 : index
        %get3A_398 = tpu.vector_load %arg10[%get3A_396, %get3A_397] {strides = array<i32>} : memref<104x64xf32, #tpu.memory_space<vmem>>, vector<1x16xf32>,
        %get3A_399 = vector.shape_cast %get3A_398 : vector<1x16xf32> to vector<16xf32>
        %add3A_400 = arith.addf %get3A_399, %get3A_322 : vector<16xf32>
        %swap3A_401 = arith.index_cast %add3A_365 : i32 to index
        %swap3A_402 = arith.constant 48 : index
        %swap3A_403 = tpu.vector_load %arg10[%swap3A_401, %swap3A_402] {strides = array<i32>} : memref<104x64xf32, #tpu.memory_space<vmem>>, vector<1x16xf32>,
        %swap3A_404 = vector.shape_cast %swap3A_403 : vector<1x16xf32> to vector<16xf32>
        %swap3A_405 = vector.shape_cast %add3A_400 : vector<16xf32> to vector<1x16xf32>
        tpu.vector_store %arg10[%swap3A_401, %swap3A_402], %swap3A_405 {strides = array<i32>} : memref<104x64xf32, #tpu.memory_space<vmem>>, vector<1x16xf32>,
        %scan3A_406 = arith.constant 0 : i32
        scf.yield %scan3A_406 : i32
      }
      %scan3A_258 = arith.constant 50 : i32
      %mul3A_259 = arith.constant 64 : i32
      %mul3A_260 = arith.muli %add3A, %mul3A_259 : i32
      %add3A_261 = arith.addi %mul3A_260, %add3A_231 : i32
      %mul3A_262 = arith.constant 104 : i32
      %mul3A_263 = arith.muli %add3A_261, %mul3A_262 : i32
      %dma_start3A_264 = arith.constant 0 : i32
      %dma_start3A_265 = tpu.memref_slice %arg5[%mul3A_263, %dma_start3A_264] : memref<212992x64xf32, #tpu.memory_space<hbm>> -> memref<104x64xf32, #tpu.memory_space<hbm>>
      %dma_start3A_266 = arith.constant 0 : i32
      %dma_start3A_267 = tpu.memref_slice %arg5[%mul3A_263, %dma_start3A_266] : memref<212992x64xf32, #tpu.memory_space<hbm>> -> memref<104x64xf32, #tpu.memory_space<hbm>>
      tpu.enqueue_dma source(%arg10 : memref<104x64xf32, #tpu.memory_space<vmem>>) target(%dma_start3A_267 : memref<104x64xf32, #tpu.memory_space<hbm>>) target_semaphore(%arg19 : memref<!tpu.dma_semaphore, #tpu.memory_space<semaphore_mem>>)
      %add3A_268 = arith.constant 3 : i32
      %add3A_269 = arith.addi %add3A_153, %add3A_268 : i32
      %dma_wait3A_270 = arith.constant 0 : i32
      %dma_wait3A_271 = arith.constant 0 : i32
      %dma_wait3A_272 = tpu.memref_slice %arg3[%dma_wait3A_270, %dma_wait3A_271] : memref<1000000x64xf32, #tpu.memory_space<hbm>> -> memref<104x64xf32, #tpu.memory_space<hbm>>
      %dma_wait3A_273 = arith.constant 0 : i32
      %dma_wait3A_274 = arith.constant 0 : i32
      %dma_wait3A_275 = tpu.memref_slice %arg3[%dma_wait3A_273, %dma_wait3A_274] : memref<1000000x64xf32, #tpu.memory_space<hbm>> -> memref<104x64xf32, #tpu.memory_space<hbm>>
      tpu.wait_dma2 semaphore(%arg12 : memref<!tpu.dma_semaphore, #tpu.memory_space<semaphore_mem>>) src(%dma_wait3A_275 : memref<104x64xf32, #tpu.memory_space<hbm>>) dst(%arg7 : memref<104x64xf32, #tpu.memory_space<vmem>>)
      %dma_wait3A_276 = arith.constant 0 : i32
      %dma_wait3A_277 = arith.constant 0 : i32
      %dma_wait3A_278 = tpu.memref_slice %arg3[%dma_wait3A_276, %dma_wait3A_277] : memref<1000000x64xf32, #tpu.memory_space<hbm>> -> memref<104x64xf32, #tpu.memory_space<hbm>>
      %dma_wait3A_279 = arith.constant 0 : i32
      %dma_wait3A_280 = arith.constant 0 : i32
      %dma_wait3A_281 = tpu.memref_slice %arg3[%dma_wait3A_279, %dma_wait3A_280] : memref<1000000x64xf32, #tpu.memory_space<hbm>> -> memref<104x64xf32, #tpu.memory_space<hbm>>
      tpu.wait_dma2 semaphore(%arg19 : memref<!tpu.dma_semaphore, #tpu.memory_space<semaphore_mem>>) src(%dma_wait3A_281 : memref<104x64xf32, #tpu.memory_space<hbm>>) dst(%arg10 : memref<104x64xf32, #tpu.memory_space<vmem>>)
      %add3A_282 = arith.constant 3 : i32
      %add3A_283 = arith.addi %add3A_269, %add3A_282 : i32
      %dma_start3A_284 = arith.constant 0 : i32
      %dma_start3A_285 = tpu.memref_slice %arg6[%add3A_283, %dma_start3A_284] : memref<64x104xi32, #tpu.memory_space<vmem>> -> memref<1x104xi32, #tpu.memory_space<vmem>>
      %dma_start3A_286 = tpu.memref_squeeze %dma_start3A_285 : memref<1x104xi32, #tpu.memory_space<vmem>> -> memref<104xi32, #tpu.memory_space<vmem>>
      %dma_start3A_287 = arith.constant 0 : i32
      %dma_start3A_288 = arith.constant 0 : i32
      %dma_start3A_289 = tpu.memref_slice %arg3[%dma_start3A_287, %dma_start3A_288] : memref<1000000x64xf32, #tpu.memory_space<hbm>> -> memref<1000000x64xf32, #tpu.memory_space<hbm>>
      tpu.enqueue_indirect_dma source(%dma_start3A_289 : memref<1000000x64xf32, #tpu.memory_space<hbm>>) target(%arg10 : memref<104x64xf32, #tpu.memory_space<vmem>>) offsets(%dma_start3A_286 : memref<104xi32, #tpu.memory_space<vmem>>) semaphore(%arg15 : memref<!tpu.dma_semaphore, #tpu.memory_space<semaphore_mem>>)
      %scan3A_290 = arith.constant 0 : i32
      %scan3A_291 = arith.constant 0 : i32
      %scan3A_292 = arith.constant 50 : i32
      %scan3A_293 = arith.addi %scan3A_291, %scan3A_292 : i32
      %scan3A_294 = arith.constant 1 : i32
      %scan3A_295 = scf.for %scan3A_306 = %scan3A_291 to %scan3A_293 step %scan3A_294 iter_args(%scan3A_307 = %scan3A_290) -> (i32)  : i32 {
        %get3A = arith.index_cast %scan3A_306 : i32 to index
        %get3A_308 = arith.constant 0 : index
        %get3A_309 = tpu.vector_load %arg11[%get3A, %get3A_308] {strides = array<i32>} : memref<50x64xf32, #tpu.memory_space<vmem>>, vector<1x16xf32>,
        %get3A_310 = vector.shape_cast %get3A_309 : vector<1x16xf32> to vector<16xf32>
        %get3A_311 = arith.index_cast %scan3A_306 : i32 to index
        %get3A_312 = arith.constant 16 : index
        %get3A_313 = tpu.vector_load %arg11[%get3A_311, %get3A_312] {strides = array<i32>} : memref<50x64xf32, #tpu.memory_space<vmem>>, vector<1x16xf32>,
        %get3A_314 = vector.shape_cast %get3A_313 : vector<1x16xf32> to vector<16xf32>
        %get3A_315 = arith.index_cast %scan3A_306 : i32 to index
        %get3A_316 = arith.constant 32 : index
        %get3A_317 = tpu.vector_load %arg11[%get3A_315, %get3A_316] {strides = array<i32>} : memref<50x64xf32, #tpu.memory_space<vmem>>, vector<1x16xf32>,
        %get3A_318 = vector.shape_cast %get3A_317 : vector<1x16xf32> to vector<16xf32>
        %get3A_319 = arith.index_cast %scan3A_306 : i32 to index
        %get3A_320 = arith.constant 48 : index
        %get3A_321 = tpu.vector_load %arg11[%get3A_319, %get3A_320] {strides = array<i32>} : memref<50x64xf32, #tpu.memory_space<vmem>>, vector<1x16xf32>,
        %get3A_322 = vector.shape_cast %get3A_321 : vector<1x16xf32> to vector<16xf32>
        %add3A_323 = arith.constant 0 : i32
        %add3A_324 = arith.addi %add3A_323, %scan3A_306 : i32
        %get3A_325 = arith.index_cast %add3A_324 : i32 to index
        %get3A_326 = arith.constant 0 : index
        %get3A_327 = tpu.vector_load %arg7[%get3A_325, %get3A_326] {strides = array<i32>} : memref<104x64xf32, #tpu.memory_space<vmem>>, vector<1x16xf32>,
        %get3A_328 = vector.shape_cast %get3A_327 : vector<1x16xf32> to vector<16xf32>
        %add3A_329 = arith.addf %get3A_328, %get3A_310 : vector<16xf32>
        %swap3A = arith.index_cast %add3A_324 : i32 to index
        %swap3A_330 = arith.constant 0 : index
        %swap3A_331 = tpu.vector_load %arg7[%swap3A, %swap3A_330] {strides = array<i32>} : memref<104x64xf32, #tpu.memory_space<vmem>>, vector<1x16xf32>,
        %swap3A_332 = vector.shape_cast %swap3A_331 : vector<1x16xf32> to vector<16xf32>
        %swap3A_333 = vector.shape_cast %add3A_329 : vector<16xf32> to vector<1x16xf32>
        tpu.vector_store %arg7[%swap3A, %swap3A_330], %swap3A_333 {strides = array<i32>} : memref<104x64xf32, #tpu.memory_space<vmem>>, vector<1x16xf32>,
        %get3A_334 = arith.index_cast %add3A_324 : i32 to index
        %get3A_335 = arith.constant 16 : index
        %get3A_336 = tpu.vector_load %arg7[%get3A_334, %get3A_335] {strides = array<i32>} : memref<104x64xf32, #tpu.memory_space<vmem>>, vector<1x16xf32>,
        %get3A_337 = vector.shape_cast %get3A_336 : vector<1x16xf32> to vector<16xf32>
        %add3A_338 = arith.addf %get3A_337, %get3A_314 : vector<16xf32>
        %swap3A_339 = arith.index_cast %add3A_324 : i32 to index
        %swap3A_340 = arith.constant 16 : index
        %swap3A_341 = tpu.vector_load %arg7[%swap3A_339, %swap3A_340] {strides = array<i32>} : memref<104x64xf32, #tpu.memory_space<vmem>>, vector<1x16xf32>,
        %swap3A_342 = vector.shape_cast %swap3A_341 : vector<1x16xf32> to vector<16xf32>
        %swap3A_343 = vector.shape_cast %add3A_338 : vector<16xf32> to vector<1x16xf32>
        tpu.vector_store %arg7[%swap3A_339, %swap3A_340], %swap3A_343 {strides = array<i32>} : memref<104x64xf32, #tpu.memory_space<vmem>>, vector<1x16xf32>,
        %get3A_344 = arith.index_cast %add3A_324 : i32 to index
        %get3A_345 = arith.constant 32 : index
        %get3A_346 = tpu.vector_load %arg7[%get3A_344, %get3A_345] {strides = array<i32>} : memref<104x64xf32, #tpu.memory_space<vmem>>, vector<1x16xf32>,
        %get3A_347 = vector.shape_cast %get3A_346 : vector<1x16xf32> to vector<16xf32>
        %add3A_348 = arith.addf %get3A_347, %get3A_318 : vector<16xf32>
        %swap3A_349 = arith.index_cast %add3A_324 : i32 to index
        %swap3A_350 = arith.constant 32 : index
        %swap3A_351 = tpu.vector_load %arg7[%swap3A_349, %swap3A_350] {strides = array<i32>} : memref<104x64xf32, #tpu.memory_space<vmem>>, vector<1x16xf32>,
        %swap3A_352 = vector.shape_cast %swap3A_351 : vector<1x16xf32> to vector<16xf32>
        %swap3A_353 = vector.shape_cast %add3A_348 : vector<16xf32> to vector<1x16xf32>
        tpu.vector_store %arg7[%swap3A_349, %swap3A_350], %swap3A_353 {strides = array<i32>} : memref<104x64xf32, #tpu.memory_space<vmem>>, vector<1x16xf32>,
        %get3A_354 = arith.index_cast %add3A_324 : i32 to index
        %get3A_355 = arith.constant 48 : index
        %get3A_356 = tpu.vector_load %arg7[%get3A_354, %get3A_355] {strides = array<i32>} : memref<104x64xf32, #tpu.memory_space<vmem>>, vector<1x16xf32>,
        %get3A_357 = vector.shape_cast %get3A_356 : vector<1x16xf32> to vector<16xf32>
        %add3A_358 = arith.addf %get3A_357, %get3A_322 : vector<16xf32>
        %swap3A_359 = arith.index_cast %add3A_324 : i32 to index
        %swap3A_360 = arith.constant 48 : index
        %swap3A_361 = tpu.vector_load %arg7[%swap3A_359, %swap3A_360] {strides = array<i32>} : memref<104x64xf32, #tpu.memory_space<vmem>>, vector<1x16xf32>,
        %swap3A_362 = vector.shape_cast %swap3A_361 : vector<1x16xf32> to vector<16xf32>
        %swap3A_363 = vector.shape_cast %add3A_358 : vector<16xf32> to vector<1x16xf32>
        tpu.vector_store %arg7[%swap3A_359, %swap3A_360], %swap3A_363 {strides = array<i32>} : memref<104x64xf32, #tpu.memory_space<vmem>>, vector<1x16xf32>,
        %add3A_364 = arith.constant 50 : i32
        %add3A_365 = arith.addi %add3A_364, %scan3A_306 : i32
        %get3A_366 = arith.index_cast %add3A_365 : i32 to index
        %get3A_367 = arith.constant 0 : index
        %get3A_368 = tpu.vector_load %arg7[%get3A_366, %get3A_367] {strides = array<i32>} : memref<104x64xf32, #tpu.memory_space<vmem>>, vector<1x16xf32>,
        %get3A_369 = vector.shape_cast %get3A_368 : vector<1x16xf32> to vector<16xf32>
        %add3A_370 = arith.addf %get3A_369, %get3A_310 : vector<16xf32>
        %swap3A_371 = arith.index_cast %add3A_365 : i32 to index
        %swap3A_372 = arith.constant 0 : index
        %swap3A_373 = tpu.vector_load %arg7[%swap3A_371, %swap3A_372] {strides = array<i32>} : memref<104x64xf32, #tpu.memory_space<vmem>>, vector<1x16xf32>,
        %swap3A_374 = vector.shape_cast %swap3A_373 : vector<1x16xf32> to vector<16xf32>
        %swap3A_375 = vector.shape_cast %add3A_370 : vector<16xf32> to vector<1x16xf32>
        tpu.vector_store %arg7[%swap3A_371, %swap3A_372], %swap3A_375 {strides = array<i32>} : memref<104x64xf32, #tpu.memory_space<vmem>>, vector<1x16xf32>,
        %get3A_376 = arith.index_cast %add3A_365 : i32 to index
        %get3A_377 = arith.constant 16 : index
        %get3A_378 = tpu.vector_load %arg7[%get3A_376, %get3A_377] {strides = array<i32>} : memref<104x64xf32, #tpu.memory_space<vmem>>, vector<1x16xf32>,
        %get3A_379 = vector.shape_cast %get3A_378 : vector<1x16xf32> to vector<16xf32>
        %add3A_380 = arith.addf %get3A_379, %get3A_314 : vector<16xf32>
        %swap3A_381 = arith.index_cast %add3A_365 : i32 to index
        %swap3A_382 = arith.constant 16 : index
        %swap3A_383 = tpu.vector_load %arg7[%swap3A_381, %swap3A_382] {strides = array<i32>} : memref<104x64xf32, #tpu.memory_space<vmem>>, vector<1x16xf32>,
        %swap3A_384 = vector.shape_cast %swap3A_383 : vector<1x16xf32> to vector<16xf32>
        %swap3A_385 = vector.shape_cast %add3A_380 : vector<16xf32> to vector<1x16xf32>
        tpu.vector_store %arg7[%swap3A_381, %swap3A_382], %swap3A_385 {strides = array<i32>} : memref<104x64xf32, #tpu.memory_space<vmem>>, vector<1x16xf32>,
        %get3A_386 = arith.index_cast %add3A_365 : i32 to index
        %get3A_387 = arith.constant 32 : index
        %get3A_388 = tpu.vector_load %arg7[%get3A_386, %get3A_387] {strides = array<i32>} : memref<104x64xf32, #tpu.memory_space<vmem>>, vector<1x16xf32>,
        %get3A_389 = vector.shape_cast %get3A_388 : vector<1x16xf32> to vector<16xf32>
        %add3A_390 = arith.addf %get3A_389, %get3A_318 : vector<16xf32>
        %swap3A_391 = arith.index_cast %add3A_365 : i32 to index
        %swap3A_392 = arith.constant 32 : index
        %swap3A_393 = tpu.vector_load %arg7[%swap3A_391, %swap3A_392] {strides = array<i32>} : memref<104x64xf32, #tpu.memory_space<vmem>>, vector<1x16xf32>,
        %swap3A_394 = vector.shape_cast %swap3A_393 : vector<1x16xf32> to vector<16xf32>
        %swap3A_395 = vector.shape_cast %add3A_390 : vector<16xf32> to vector<1x16xf32>
        tpu.vector_store %arg7[%swap3A_391, %swap3A_392], %swap3A_395 {strides = array<i32>} : memref<104x64xf32, #tpu.memory_space<vmem>>, vector<1x16xf32>,
        %get3A_396 = arith.index_cast %add3A_365 : i32 to index
        %get3A_397 = arith.constant 48 : index
        %get3A_398 = tpu.vector_load %arg7[%get3A_396, %get3A_397] {strides = array<i32>} : memref<104x64xf32, #tpu.memory_space<vmem>>, vector<1x16xf32>,
        %get3A_399 = vector.shape_cast %get3A_398 : vector<1x16xf32> to vector<16xf32>
        %add3A_400 = arith.addf %get3A_399, %get3A_322 : vector<16xf32>
        %swap3A_401 = arith.index_cast %add3A_365 : i32 to index
        %swap3A_402 = arith.constant 48 : index
        %swap3A_403 = tpu.vector_load %arg7[%swap3A_401, %swap3A_402] {strides = array<i32>} : memref<104x64xf32, #tpu.memory_space<vmem>>, vector<1x16xf32>,
        %swap3A_404 = vector.shape_cast %swap3A_403 : vector<1x16xf32> to vector<16xf32>
        %swap3A_405 = vector.shape_cast %add3A_400 : vector<16xf32> to vector<1x16xf32>
        tpu.vector_store %arg7[%swap3A_401, %swap3A_402], %swap3A_405 {strides = array<i32>} : memref<104x64xf32, #tpu.memory_space<vmem>>, vector<1x16xf32>,
        %scan3A_406 = arith.constant 0 : i32
        scf.yield %scan3A_406 : i32
      }
      %scan3A_296 = arith.constant 50 : i32
      %mul3A_297 = arith.constant 64 : i32
      %mul3A_298 = arith.muli %add3A, %mul3A_297 : i32
      %add3A_299 = arith.addi %mul3A_298, %add3A_269 : i32
      %mul3A_300 = arith.constant 104 : i32
      %mul3A_301 = arith.muli %add3A_299, %mul3A_300 : i32
      %dma_start3A_302 = arith.constant 0 : i32
      %dma_start3A_303 = tpu.memref_slice %arg5[%mul3A_301, %dma_start3A_302] : memref<212992x64xf32, #tpu.memory_space<hbm>> -> memref<104x64xf32, #tpu.memory_space<hbm>>
      %dma_start3A_304 = arith.constant 0 : i32
      %dma_start3A_305 = tpu.memref_slice %arg5[%mul3A_301, %dma_start3A_304] : memref<212992x64xf32, #tpu.memory_space<hbm>> -> memref<104x64xf32, #tpu.memory_space<hbm>>
      tpu.enqueue_dma source(%arg7 : memref<104x64xf32, #tpu.memory_space<vmem>>) target(%dma_start3A_305 : memref<104x64xf32, #tpu.memory_space<hbm>>) target_semaphore(%arg16 : memref<!tpu.dma_semaphore, #tpu.memory_space<semaphore_mem>>)
    }
    %scan3A_55 = arith.constant 15 : i32
    %dma_wait3A_56 = arith.constant 0 : i32
    %dma_wait3A_57 = arith.constant 0 : i32
    %dma_wait3A_58 = tpu.memref_slice %arg3[%dma_wait3A_56, %dma_wait3A_57] : memref<1000000x64xf32, #tpu.memory_space<hbm>> -> memref<104x64xf32, #tpu.memory_space<hbm>>
    %dma_wait3A_59 = arith.constant 0 : i32
    %dma_wait3A_60 = arith.constant 0 : i32
    %dma_wait3A_61 = tpu.memref_slice %arg3[%dma_wait3A_59, %dma_wait3A_60] : memref<1000000x64xf32, #tpu.memory_space<hbm>> -> memref<104x64xf32, #tpu.memory_space<hbm>>
    tpu.wait_dma2 semaphore(%arg13 : memref<!tpu.dma_semaphore, #tpu.memory_space<semaphore_mem>>) src(%dma_wait3A_61 : memref<104x64xf32, #tpu.memory_space<hbm>>) dst(%arg8 : memref<104x64xf32, #tpu.memory_space<vmem>>)
    %dma_wait3A_62 = arith.constant 0 : i32
    %dma_wait3A_63 = arith.constant 0 : i32
    %dma_wait3A_64 = tpu.memref_slice %arg3[%dma_wait3A_62, %dma_wait3A_63] : memref<1000000x64xf32, #tpu.memory_space<hbm>> -> memref<104x64xf32, #tpu.memory_space<hbm>>
    %dma_wait3A_65 = arith.constant 0 : i32
    %dma_wait3A_66 = arith.constant 0 : i32
    %dma_wait3A_67 = tpu.memref_slice %arg3[%dma_wait3A_65, %dma_wait3A_66] : memref<1000000x64xf32, #tpu.memory_space<hbm>> -> memref<104x64xf32, #tpu.memory_space<hbm>>
    tpu.wait_dma2 semaphore(%arg16 : memref<!tpu.dma_semaphore, #tpu.memory_space<semaphore_mem>>) src(%dma_wait3A_67 : memref<104x64xf32, #tpu.memory_space<hbm>>) dst(%arg7 : memref<104x64xf32, #tpu.memory_space<vmem>>)
    %scan3A_68 = arith.constant 0 : i32
    %scan3A_69 = arith.constant 0 : i32
    %scan3A_70 = arith.constant 50 : i32
    %scan3A_71 = arith.addi %scan3A_69, %scan3A_70 : i32
    %scan3A_72 = arith.constant 1 : i32
    %scan3A_73 = scf.for %scan3A_149 = %scan3A_69 to %scan3A_71 step %scan3A_72 iter_args(%scan3A_150 = %scan3A_68) -> (i32)  : i32 {
      %get3A = arith.index_cast %scan3A_149 : i32 to index
      %get3A_151 = arith.constant 0 : index
      %get3A_152 = tpu.vector_load %arg11[%get3A, %get3A_151] {strides = array<i32>} : memref<50x64xf32, #tpu.memory_space<vmem>>, vector<1x16xf32>,
      %get3A_153 = vector.shape_cast %get3A_152 : vector<1x16xf32> to vector<16xf32>
      %get3A_154 = arith.index_cast %scan3A_149 : i32 to index
      %get3A_155 = arith.constant 16 : index
      %get3A_156 = tpu.vector_load %arg11[%get3A_154, %get3A_155] {strides = array<i32>} : memref<50x64xf32, #tpu.memory_space<vmem>>, vector<1x16xf32>,
      %get3A_157 = vector.shape_cast %get3A_156 : vector<1x16xf32> to vector<16xf32>
      %get3A_158 = arith.index_cast %scan3A_149 : i32 to index
      %get3A_159 = arith.constant 32 : index
      %get3A_160 = tpu.vector_load %arg11[%get3A_158, %get3A_159] {strides = array<i32>} : memref<50x64xf32, #tpu.memory_space<vmem>>, vector<1x16xf32>,
      %get3A_161 = vector.shape_cast %get3A_160 : vector<1x16xf32> to vector<16xf32>
      %get3A_162 = arith.index_cast %scan3A_149 : i32 to index
      %get3A_163 = arith.constant 48 : index
      %get3A_164 = tpu.vector_load %arg11[%get3A_162, %get3A_163] {strides = array<i32>} : memref<50x64xf32, #tpu.memory_space<vmem>>, vector<1x16xf32>,
      %get3A_165 = vector.shape_cast %get3A_164 : vector<1x16xf32> to vector<16xf32>
      %add3A_166 = arith.constant 0 : i32
      %add3A_167 = arith.addi %add3A_166, %scan3A_149 : i32
      %get3A_168 = arith.index_cast %add3A_167 : i32 to index
      %get3A_169 = arith.constant 0 : index
      %get3A_170 = tpu.vector_load %arg8[%get3A_168, %get3A_169] {strides = array<i32>} : memref<104x64xf32, #tpu.memory_space<vmem>>, vector<1x16xf32>,
      %get3A_171 = vector.shape_cast %get3A_170 : vector<1x16xf32> to vector<16xf32>
      %add3A_172 = arith.addf %get3A_171, %get3A_153 : vector<16xf32>
      %swap3A = arith.index_cast %add3A_167 : i32 to index
      %swap3A_173 = arith.constant 0 : index
      %swap3A_174 = tpu.vector_load %arg8[%swap3A, %swap3A_173] {strides = array<i32>} : memref<104x64xf32, #tpu.memory_space<vmem>>, vector<1x16xf32>,
      %swap3A_175 = vector.shape_cast %swap3A_174 : vector<1x16xf32> to vector<16xf32>
      %swap3A_176 = vector.shape_cast %add3A_172 : vector<16xf32> to vector<1x16xf32>
      tpu.vector_store %arg8[%swap3A, %swap3A_173], %swap3A_176 {strides = array<i32>} : memref<104x64xf32, #tpu.memory_space<vmem>>, vector<1x16xf32>,
      %get3A_177 = arith.index_cast %add3A_167 : i32 to index
      %get3A_178 = arith.constant 16 : index
      %get3A_179 = tpu.vector_load %arg8[%get3A_177, %get3A_178] {strides = array<i32>} : memref<104x64xf32, #tpu.memory_space<vmem>>, vector<1x16xf32>,
      %get3A_180 = vector.shape_cast %get3A_179 : vector<1x16xf32> to vector<16xf32>
      %add3A_181 = arith.addf %get3A_180, %get3A_157 : vector<16xf32>
      %swap3A_182 = arith.index_cast %add3A_167 : i32 to index
      %swap3A_183 = arith.constant 16 : index
      %swap3A_184 = tpu.vector_load %arg8[%swap3A_182, %swap3A_183] {strides = array<i32>} : memref<104x64xf32, #tpu.memory_space<vmem>>, vector<1x16xf32>,
      %swap3A_185 = vector.shape_cast %swap3A_184 : vector<1x16xf32> to vector<16xf32>
      %swap3A_186 = vector.shape_cast %add3A_181 : vector<16xf32> to vector<1x16xf32>
      tpu.vector_store %arg8[%swap3A_182, %swap3A_183], %swap3A_186 {strides = array<i32>} : memref<104x64xf32, #tpu.memory_space<vmem>>, vector<1x16xf32>,
      %get3A_187 = arith.index_cast %add3A_167 : i32 to index
      %get3A_188 = arith.constant 32 : index
      %get3A_189 = tpu.vector_load %arg8[%get3A_187, %get3A_188] {strides = array<i32>} : memref<104x64xf32, #tpu.memory_space<vmem>>, vector<1x16xf32>,
      %get3A_190 = vector.shape_cast %get3A_189 : vector<1x16xf32> to vector<16xf32>
      %add3A_191 = arith.addf %get3A_190, %get3A_161 : vector<16xf32>
      %swap3A_192 = arith.index_cast %add3A_167 : i32 to index
      %swap3A_193 = arith.constant 32 : index
      %swap3A_194 = tpu.vector_load %arg8[%swap3A_192, %swap3A_193] {strides = array<i32>} : memref<104x64xf32, #tpu.memory_space<vmem>>, vector<1x16xf32>,
      %swap3A_195 = vector.shape_cast %swap3A_194 : vector<1x16xf32> to vector<16xf32>
      %swap3A_196 = vector.shape_cast %add3A_191 : vector<16xf32> to vector<1x16xf32>
      tpu.vector_store %arg8[%swap3A_192, %swap3A_193], %swap3A_196 {strides = array<i32>} : memref<104x64xf32, #tpu.memory_space<vmem>>, vector<1x16xf32>,
      %get3A_197 = arith.index_cast %add3A_167 : i32 to index
      %get3A_198 = arith.constant 48 : index
      %get3A_199 = tpu.vector_load %arg8[%get3A_197, %get3A_198] {strides = array<i32>} : memref<104x64xf32, #tpu.memory_space<vmem>>, vector<1x16xf32>,
      %get3A_200 = vector.shape_cast %get3A_199 : vector<1x16xf32> to vector<16xf32>
      %add3A_201 = arith.addf %get3A_200, %get3A_165 : vector<16xf32>
      %swap3A_202 = arith.index_cast %add3A_167 : i32 to index
      %swap3A_203 = arith.constant 48 : index
      %swap3A_204 = tpu.vector_load %arg8[%swap3A_202, %swap3A_203] {strides = array<i32>} : memref<104x64xf32, #tpu.memory_space<vmem>>, vector<1x16xf32>,
      %swap3A_205 = vector.shape_cast %swap3A_204 : vector<1x16xf32> to vector<16xf32>
      %swap3A_206 = vector.shape_cast %add3A_201 : vector<16xf32> to vector<1x16xf32>
      tpu.vector_store %arg8[%swap3A_202, %swap3A_203], %swap3A_206 {strides = array<i32>} : memref<104x64xf32, #tpu.memory_space<vmem>>, vector<1x16xf32>,
      %add3A_207 = arith.constant 50 : i32
      %add3A_208 = arith.addi %add3A_207, %scan3A_149 : i32
      %get3A_209 = arith.index_cast %add3A_208 : i32 to index
      %get3A_210 = arith.constant 0 : index
      %get3A_211 = tpu.vector_load %arg8[%get3A_209, %get3A_210] {strides = array<i32>} : memref<104x64xf32, #tpu.memory_space<vmem>>, vector<1x16xf32>,
      %get3A_212 = vector.shape_cast %get3A_211 : vector<1x16xf32> to vector<16xf32>
      %add3A_213 = arith.addf %get3A_212, %get3A_153 : vector<16xf32>
      %swap3A_214 = arith.index_cast %add3A_208 : i32 to index
      %swap3A_215 = arith.constant 0 : index
      %swap3A_216 = tpu.vector_load %arg8[%swap3A_214, %swap3A_215] {strides = array<i32>} : memref<104x64xf32, #tpu.memory_space<vmem>>, vector<1x16xf32>,
      %swap3A_217 = vector.shape_cast %swap3A_216 : vector<1x16xf32> to vector<16xf32>
      %swap3A_218 = vector.shape_cast %add3A_213 : vector<16xf32> to vector<1x16xf32>
      tpu.vector_store %arg8[%swap3A_214, %swap3A_215], %swap3A_218 {strides = array<i32>} : memref<104x64xf32, #tpu.memory_space<vmem>>, vector<1x16xf32>,
      %get3A_219 = arith.index_cast %add3A_208 : i32 to index
      %get3A_220 = arith.constant 16 : index
      %get3A_221 = tpu.vector_load %arg8[%get3A_219, %get3A_220] {strides = array<i32>} : memref<104x64xf32, #tpu.memory_space<vmem>>, vector<1x16xf32>,
      %get3A_222 = vector.shape_cast %get3A_221 : vector<1x16xf32> to vector<16xf32>
      %add3A_223 = arith.addf %get3A_222, %get3A_157 : vector<16xf32>
      %swap3A_224 = arith.index_cast %add3A_208 : i32 to index
      %swap3A_225 = arith.constant 16 : index
      %swap3A_226 = tpu.vector_load %arg8[%swap3A_224, %swap3A_225] {strides = array<i32>} : memref<104x64xf32, #tpu.memory_space<vmem>>, vector<1x16xf32>,
      %swap3A_227 = vector.shape_cast %swap3A_226 : vector<1x16xf32> to vector<16xf32>
      %swap3A_228 = vector.shape_cast %add3A_223 : vector<16xf32> to vector<1x16xf32>
      tpu.vector_store %arg8[%swap3A_224, %swap3A_225], %swap3A_228 {strides = array<i32>} : memref<104x64xf32, #tpu.memory_space<vmem>>, vector<1x16xf32>,
      %get3A_229 = arith.index_cast %add3A_208 : i32 to index
      %get3A_230 = arith.constant 32 : index
      %get3A_231 = tpu.vector_load %arg8[%get3A_229, %get3A_230] {strides = array<i32>} : memref<104x64xf32, #tpu.memory_space<vmem>>, vector<1x16xf32>,
      %get3A_232 = vector.shape_cast %get3A_231 : vector<1x16xf32> to vector<16xf32>
      %add3A_233 = arith.addf %get3A_232, %get3A_161 : vector<16xf32>
      %swap3A_234 = arith.index_cast %add3A_208 : i32 to index
      %swap3A_235 = arith.constant 32 : index
      %swap3A_236 = tpu.vector_load %arg8[%swap3A_234, %swap3A_235] {strides = array<i32>} : memref<104x64xf32, #tpu.memory_space<vmem>>, vector<1x16xf32>,
      %swap3A_237 = vector.shape_cast %swap3A_236 : vector<1x16xf32> to vector<16xf32>
      %swap3A_238 = vector.shape_cast %add3A_233 : vector<16xf32> to vector<1x16xf32>
      tpu.vector_store %arg8[%swap3A_234, %swap3A_235], %swap3A_238 {strides = array<i32>} : memref<104x64xf32, #tpu.memory_space<vmem>>, vector<1x16xf32>,
      %get3A_239 = arith.index_cast %add3A_208 : i32 to index
      %get3A_240 = arith.constant 48 : index
      %get3A_241 = tpu.vector_load %arg8[%get3A_239, %get3A_240] {strides = array<i32>} : memref<104x64xf32, #tpu.memory_space<vmem>>, vector<1x16xf32>,
      %get3A_242 = vector.shape_cast %get3A_241 : vector<1x16xf32> to vector<16xf32>
      %add3A_243 = arith.addf %get3A_242, %get3A_165 : vector<16xf32>
      %swap3A_244 = arith.index_cast %add3A_208 : i32 to index
      %swap3A_245 = arith.constant 48 : index
      %swap3A_246 = tpu.vector_load %arg8[%swap3A_244, %swap3A_245] {strides = array<i32>} : memref<104x64xf32, #tpu.memory_space<vmem>>, vector<1x16xf32>,
      %swap3A_247 = vector.shape_cast %swap3A_246 : vector<1x16xf32> to vector<16xf32>
      %swap3A_248 = vector.shape_cast %add3A_243 : vector<16xf32> to vector<1x16xf32>
      tpu.vector_store %arg8[%swap3A_244, %swap3A_245], %swap3A_248 {strides = array<i32>} : memref<104x64xf32, #tpu.memory_space<vmem>>, vector<1x16xf32>,
      %scan3A_249 = arith.constant 0 : i32
      scf.yield %scan3A_249 : i32
    }
    %scan3A_74 = arith.constant 50 : i32
    %mul3A_75 = arith.constant 64 : i32
    %mul3A_76 = arith.muli %add3A, %mul3A_75 : i32
    %add3A_77 = arith.constant 61 : i32
    %add3A_78 = arith.addi %mul3A_76, %add3A_77 : i32
    %mul3A_79 = arith.constant 104 : i32
    %mul3A_80 = arith.muli %add3A_78, %mul3A_79 : i32
    %dma_start3A_81 = arith.constant 0 : i32
    %dma_start3A_82 = tpu.memref_slice %arg5[%mul3A_80, %dma_start3A_81] : memref<212992x64xf32, #tpu.memory_space<hbm>> -> memref<104x64xf32, #tpu.memory_space<hbm>>
    %dma_start3A_83 = arith.constant 0 : i32
    %dma_start3A_84 = tpu.memref_slice %arg5[%mul3A_80, %dma_start3A_83] : memref<212992x64xf32, #tpu.memory_space<hbm>> -> memref<104x64xf32, #tpu.memory_space<hbm>>
    tpu.enqueue_dma source(%arg8 : memref<104x64xf32, #tpu.memory_space<vmem>>) target(%dma_start3A_84 : memref<104x64xf32, #tpu.memory_space<hbm>>) target_semaphore(%arg17 : memref<!tpu.dma_semaphore, #tpu.memory_space<semaphore_mem>>)
    %dma_wait3A_85 = arith.constant 0 : i32
    %dma_wait3A_86 = arith.constant 0 : i32
    %dma_wait3A_87 = tpu.memref_slice %arg3[%dma_wait3A_85, %dma_wait3A_86] : memref<1000000x64xf32, #tpu.memory_space<hbm>> -> memref<104x64xf32, #tpu.memory_space<hbm>>
    %dma_wait3A_88 = arith.constant 0 : i32
    %dma_wait3A_89 = arith.constant 0 : i32
    %dma_wait3A_90 = tpu.memref_slice %arg3[%dma_wait3A_88, %dma_wait3A_89] : memref<1000000x64xf32, #tpu.memory_space<hbm>> -> memref<104x64xf32, #tpu.memory_space<hbm>>
    tpu.wait_dma2 semaphore(%arg14 : memref<!tpu.dma_semaphore, #tpu.memory_space<semaphore_mem>>) src(%dma_wait3A_90 : memref<104x64xf32, #tpu.memory_space<hbm>>) dst(%arg9 : memref<104x64xf32, #tpu.memory_space<vmem>>)
    %dma_wait3A_91 = arith.constant 0 : i32
    %dma_wait3A_92 = arith.constant 0 : i32
    %dma_wait3A_93 = tpu.memref_slice %arg3[%dma_wait3A_91, %dma_wait3A_92] : memref<1000000x64xf32, #tpu.memory_space<hbm>> -> memref<104x64xf32, #tpu.memory_space<hbm>>
    %dma_wait3A_94 = arith.constant 0 : i32
    %dma_wait3A_95 = arith.constant 0 : i32
    %dma_wait3A_96 = tpu.memref_slice %arg3[%dma_wait3A_94, %dma_wait3A_95] : memref<1000000x64xf32, #tpu.memory_space<hbm>> -> memref<104x64xf32, #tpu.memory_space<hbm>>
    tpu.wait_dma2 semaphore(%arg17 : memref<!tpu.dma_semaphore, #tpu.memory_space<semaphore_mem>>) src(%dma_wait3A_96 : memref<104x64xf32, #tpu.memory_space<hbm>>) dst(%arg8 : memref<104x64xf32, #tpu.memory_space<vmem>>)
    %scan3A_97 = arith.constant 0 : i32
    %scan3A_98 = arith.constant 0 : i32
    %scan3A_99 = arith.constant 50 : i32
    %scan3A_100 = arith.addi %scan3A_98, %scan3A_99 : i32
    %scan3A_101 = arith.constant 1 : i32
    %scan3A_102 = scf.for %scan3A_149 = %scan3A_98 to %scan3A_100 step %scan3A_101 iter_args(%scan3A_150 = %scan3A_97) -> (i32)  : i32 {
      %get3A = arith.index_cast %scan3A_149 : i32 to index
      %get3A_151 = arith.constant 0 : index
      %get3A_152 = tpu.vector_load %arg11[%get3A, %get3A_151] {strides = array<i32>} : memref<50x64xf32, #tpu.memory_space<vmem>>, vector<1x16xf32>,
      %get3A_153 = vector.shape_cast %get3A_152 : vector<1x16xf32> to vector<16xf32>
      %get3A_154 = arith.index_cast %scan3A_149 : i32 to index
      %get3A_155 = arith.constant 16 : index
      %get3A_156 = tpu.vector_load %arg11[%get3A_154, %get3A_155] {strides = array<i32>} : memref<50x64xf32, #tpu.memory_space<vmem>>, vector<1x16xf32>,
      %get3A_157 = vector.shape_cast %get3A_156 : vector<1x16xf32> to vector<16xf32>
      %get3A_158 = arith.index_cast %scan3A_149 : i32 to index
      %get3A_159 = arith.constant 32 : index
      %get3A_160 = tpu.vector_load %arg11[%get3A_158, %get3A_159] {strides = array<i32>} : memref<50x64xf32, #tpu.memory_space<vmem>>, vector<1x16xf32>,
      %get3A_161 = vector.shape_cast %get3A_160 : vector<1x16xf32> to vector<16xf32>
      %get3A_162 = arith.index_cast %scan3A_149 : i32 to index
      %get3A_163 = arith.constant 48 : index
      %get3A_164 = tpu.vector_load %arg11[%get3A_162, %get3A_163] {strides = array<i32>} : memref<50x64xf32, #tpu.memory_space<vmem>>, vector<1x16xf32>,
      %get3A_165 = vector.shape_cast %get3A_164 : vector<1x16xf32> to vector<16xf32>
      %add3A_166 = arith.constant 0 : i32
      %add3A_167 = arith.addi %add3A_166, %scan3A_149 : i32
      %get3A_168 = arith.index_cast %add3A_167 : i32 to index
      %get3A_169 = arith.constant 0 : index
      %get3A_170 = tpu.vector_load %arg9[%get3A_168, %get3A_169] {strides = array<i32>} : memref<104x64xf32, #tpu.memory_space<vmem>>, vector<1x16xf32>,
      %get3A_171 = vector.shape_cast %get3A_170 : vector<1x16xf32> to vector<16xf32>
      %add3A_172 = arith.addf %get3A_171, %get3A_153 : vector<16xf32>
      %swap3A = arith.index_cast %add3A_167 : i32 to index
      %swap3A_173 = arith.constant 0 : index
      %swap3A_174 = tpu.vector_load %arg9[%swap3A, %swap3A_173] {strides = array<i32>} : memref<104x64xf32, #tpu.memory_space<vmem>>, vector<1x16xf32>,
      %swap3A_175 = vector.shape_cast %swap3A_174 : vector<1x16xf32> to vector<16xf32>
      %swap3A_176 = vector.shape_cast %add3A_172 : vector<16xf32> to vector<1x16xf32>
      tpu.vector_store %arg9[%swap3A, %swap3A_173], %swap3A_176 {strides = array<i32>} : memref<104x64xf32, #tpu.memory_space<vmem>>, vector<1x16xf32>,
      %get3A_177 = arith.index_cast %add3A_167 : i32 to index
      %get3A_178 = arith.constant 16 : index
      %get3A_179 = tpu.vector_load %arg9[%get3A_177, %get3A_178] {strides = array<i32>} : memref<104x64xf32, #tpu.memory_space<vmem>>, vector<1x16xf32>,
      %get3A_180 = vector.shape_cast %get3A_179 : vector<1x16xf32> to vector<16xf32>
      %add3A_181 = arith.addf %get3A_180, %get3A_157 : vector<16xf32>
      %swap3A_182 = arith.index_cast %add3A_167 : i32 to index
      %swap3A_183 = arith.constant 16 : index
      %swap3A_184 = tpu.vector_load %arg9[%swap3A_182, %swap3A_183] {strides = array<i32>} : memref<104x64xf32, #tpu.memory_space<vmem>>, vector<1x16xf32>,
      %swap3A_185 = vector.shape_cast %swap3A_184 : vector<1x16xf32> to vector<16xf32>
      %swap3A_186 = vector.shape_cast %add3A_181 : vector<16xf32> to vector<1x16xf32>
      tpu.vector_store %arg9[%swap3A_182, %swap3A_183], %swap3A_186 {strides = array<i32>} : memref<104x64xf32, #tpu.memory_space<vmem>>, vector<1x16xf32>,
      %get3A_187 = arith.index_cast %add3A_167 : i32 to index
      %get3A_188 = arith.constant 32 : index
      %get3A_189 = tpu.vector_load %arg9[%get3A_187, %get3A_188] {strides = array<i32>} : memref<104x64xf32, #tpu.memory_space<vmem>>, vector<1x16xf32>,
      %get3A_190 = vector.shape_cast %get3A_189 : vector<1x16xf32> to vector<16xf32>
      %add3A_191 = arith.addf %get3A_190, %get3A_161 : vector<16xf32>
      %swap3A_192 = arith.index_cast %add3A_167 : i32 to index
      %swap3A_193 = arith.constant 32 : index
      %swap3A_194 = tpu.vector_load %arg9[%swap3A_192, %swap3A_193] {strides = array<i32>} : memref<104x64xf32, #tpu.memory_space<vmem>>, vector<1x16xf32>,
      %swap3A_195 = vector.shape_cast %swap3A_194 : vector<1x16xf32> to vector<16xf32>
      %swap3A_196 = vector.shape_cast %add3A_191 : vector<16xf32> to vector<1x16xf32>
      tpu.vector_store %arg9[%swap3A_192, %swap3A_193], %swap3A_196 {strides = array<i32>} : memref<104x64xf32, #tpu.memory_space<vmem>>, vector<1x16xf32>,
      %get3A_197 = arith.index_cast %add3A_167 : i32 to index
      %get3A_198 = arith.constant 48 : index
      %get3A_199 = tpu.vector_load %arg9[%get3A_197, %get3A_198] {strides = array<i32>} : memref<104x64xf32, #tpu.memory_space<vmem>>, vector<1x16xf32>,
      %get3A_200 = vector.shape_cast %get3A_199 : vector<1x16xf32> to vector<16xf32>
      %add3A_201 = arith.addf %get3A_200, %get3A_165 : vector<16xf32>
      %swap3A_202 = arith.index_cast %add3A_167 : i32 to index
      %swap3A_203 = arith.constant 48 : index
      %swap3A_204 = tpu.vector_load %arg9[%swap3A_202, %swap3A_203] {strides = array<i32>} : memref<104x64xf32, #tpu.memory_space<vmem>>, vector<1x16xf32>,
      %swap3A_205 = vector.shape_cast %swap3A_204 : vector<1x16xf32> to vector<16xf32>
      %swap3A_206 = vector.shape_cast %add3A_201 : vector<16xf32> to vector<1x16xf32>
      tpu.vector_store %arg9[%swap3A_202, %swap3A_203], %swap3A_206 {strides = array<i32>} : memref<104x64xf32, #tpu.memory_space<vmem>>, vector<1x16xf32>,
      %add3A_207 = arith.constant 50 : i32
      %add3A_208 = arith.addi %add3A_207, %scan3A_149 : i32
      %get3A_209 = arith.index_cast %add3A_208 : i32 to index
      %get3A_210 = arith.constant 0 : index
      %get3A_211 = tpu.vector_load %arg9[%get3A_209, %get3A_210] {strides = array<i32>} : memref<104x64xf32, #tpu.memory_space<vmem>>, vector<1x16xf32>,
      %get3A_212 = vector.shape_cast %get3A_211 : vector<1x16xf32> to vector<16xf32>
      %add3A_213 = arith.addf %get3A_212, %get3A_153 : vector<16xf32>
      %swap3A_214 = arith.index_cast %add3A_208 : i32 to index
      %swap3A_215 = arith.constant 0 : index
      %swap3A_216 = tpu.vector_load %arg9[%swap3A_214, %swap3A_215] {strides = array<i32>} : memref<104x64xf32, #tpu.memory_space<vmem>>, vector<1x16xf32>,
      %swap3A_217 = vector.shape_cast %swap3A_216 : vector<1x16xf32> to vector<16xf32>
      %swap3A_218 = vector.shape_cast %add3A_213 : vector<16xf32> to vector<1x16xf32>
      tpu.vector_store %arg9[%swap3A_214, %swap3A_215], %swap3A_218 {strides = array<i32>} : memref<104x64xf32, #tpu.memory_space<vmem>>, vector<1x16xf32>,
      %get3A_219 = arith.index_cast %add3A_208 : i32 to index
      %get3A_220 = arith.constant 16 : index
      %get3A_221 = tpu.vector_load %arg9[%get3A_219, %get3A_220] {strides = array<i32>} : memref<104x64xf32, #tpu.memory_space<vmem>>, vector<1x16xf32>,
      %get3A_222 = vector.shape_cast %get3A_221 : vector<1x16xf32> to vector<16xf32>
      %add3A_223 = arith.addf %get3A_222, %get3A_157 : vector<16xf32>
      %swap3A_224 = arith.index_cast %add3A_208 : i32 to index
      %swap3A_225 = arith.constant 16 : index
      %swap3A_226 = tpu.vector_load %arg9[%swap3A_224, %swap3A_225] {strides = array<i32>} : memref<104x64xf32, #tpu.memory_space<vmem>>, vector<1x16xf32>,
      %swap3A_227 = vector.shape_cast %swap3A_226 : vector<1x16xf32> to vector<16xf32>
      %swap3A_228 = vector.shape_cast %add3A_223 : vector<16xf32> to vector<1x16xf32>
      tpu.vector_store %arg9[%swap3A_224, %swap3A_225], %swap3A_228 {strides = array<i32>} : memref<104x64xf32, #tpu.memory_space<vmem>>, vector<1x16xf32>,
      %get3A_229 = arith.index_cast %add3A_208 : i32 to index
      %get3A_230 = arith.constant 32 : index
      %get3A_231 = tpu.vector_load %arg9[%get3A_229, %get3A_230] {strides = array<i32>} : memref<104x64xf32, #tpu.memory_space<vmem>>, vector<1x16xf32>,
      %get3A_232 = vector.shape_cast %get3A_231 : vector<1x16xf32> to vector<16xf32>
      %add3A_233 = arith.addf %get3A_232, %get3A_161 : vector<16xf32>
      %swap3A_234 = arith.index_cast %add3A_208 : i32 to index
      %swap3A_235 = arith.constant 32 : index
      %swap3A_236 = tpu.vector_load %arg9[%swap3A_234, %swap3A_235] {strides = array<i32>} : memref<104x64xf32, #tpu.memory_space<vmem>>, vector<1x16xf32>,
      %swap3A_237 = vector.shape_cast %swap3A_236 : vector<1x16xf32> to vector<16xf32>
      %swap3A_238 = vector.shape_cast %add3A_233 : vector<16xf32> to vector<1x16xf32>
      tpu.vector_store %arg9[%swap3A_234, %swap3A_235], %swap3A_238 {strides = array<i32>} : memref<104x64xf32, #tpu.memory_space<vmem>>, vector<1x16xf32>,
      %get3A_239 = arith.index_cast %add3A_208 : i32 to index
      %get3A_240 = arith.constant 48 : index
      %get3A_241 = tpu.vector_load %arg9[%get3A_239, %get3A_240] {strides = array<i32>} : memref<104x64xf32, #tpu.memory_space<vmem>>, vector<1x16xf32>,
      %get3A_242 = vector.shape_cast %get3A_241 : vector<1x16xf32> to vector<16xf32>
      %add3A_243 = arith.addf %get3A_242, %get3A_165 : vector<16xf32>
      %swap3A_244 = arith.index_cast %add3A_208 : i32 to index
      %swap3A_245 = arith.constant 48 : index
      %swap3A_246 = tpu.vector_load %arg9[%swap3A_244, %swap3A_245] {strides = array<i32>} : memref<104x64xf32, #tpu.memory_space<vmem>>, vector<1x16xf32>,
      %swap3A_247 = vector.shape_cast %swap3A_246 : vector<1x16xf32> to vector<16xf32>
      %swap3A_248 = vector.shape_cast %add3A_243 : vector<16xf32> to vector<1x16xf32>
      tpu.vector_store %arg9[%swap3A_244, %swap3A_245], %swap3A_248 {strides = array<i32>} : memref<104x64xf32, #tpu.memory_space<vmem>>, vector<1x16xf32>,
      %scan3A_249 = arith.constant 0 : i32
      scf.yield %scan3A_249 : i32
    }
    %scan3A_103 = arith.constant 50 : i32
    %mul3A_104 = arith.constant 64 : i32
    %mul3A_105 = arith.muli %add3A, %mul3A_104 : i32
    %add3A_106 = arith.constant 62 : i32
    %add3A_107 = arith.addi %mul3A_105, %add3A_106 : i32
    %mul3A_108 = arith.constant 104 : i32
    %mul3A_109 = arith.muli %add3A_107, %mul3A_108 : i32
    %dma_start3A_110 = arith.constant 0 : i32
    %dma_start3A_111 = tpu.memref_slice %arg5[%mul3A_109, %dma_start3A_110] : memref<212992x64xf32, #tpu.memory_space<hbm>> -> memref<104x64xf32, #tpu.memory_space<hbm>>
    %dma_start3A_112 = arith.constant 0 : i32
    %dma_start3A_113 = tpu.memref_slice %arg5[%mul3A_109, %dma_start3A_112] : memref<212992x64xf32, #tpu.memory_space<hbm>> -> memref<104x64xf32, #tpu.memory_space<hbm>>
    tpu.enqueue_dma source(%arg9 : memref<104x64xf32, #tpu.memory_space<vmem>>) target(%dma_start3A_113 : memref<104x64xf32, #tpu.memory_space<hbm>>) target_semaphore(%arg18 : memref<!tpu.dma_semaphore, #tpu.memory_space<semaphore_mem>>)
    %dma_wait3A_114 = arith.constant 0 : i32
    %dma_wait3A_115 = arith.constant 0 : i32
    %dma_wait3A_116 = tpu.memref_slice %arg3[%dma_wait3A_114, %dma_wait3A_115] : memref<1000000x64xf32, #tpu.memory_space<hbm>> -> memref<104x64xf32, #tpu.memory_space<hbm>>
    %dma_wait3A_117 = arith.constant 0 : i32
    %dma_wait3A_118 = arith.constant 0 : i32
    %dma_wait3A_119 = tpu.memref_slice %arg3[%dma_wait3A_117, %dma_wait3A_118] : memref<1000000x64xf32, #tpu.memory_space<hbm>> -> memref<104x64xf32, #tpu.memory_space<hbm>>
    tpu.wait_dma2 semaphore(%arg15 : memref<!tpu.dma_semaphore, #tpu.memory_space<semaphore_mem>>) src(%dma_wait3A_119 : memref<104x64xf32, #tpu.memory_space<hbm>>) dst(%arg10 : memref<104x64xf32, #tpu.memory_space<vmem>>)
    %dma_wait3A_120 = arith.constant 0 : i32
    %dma_wait3A_121 = arith.constant 0 : i32
    %dma_wait3A_122 = tpu.memref_slice %arg3[%dma_wait3A_120, %dma_wait3A_121] : memref<1000000x64xf32, #tpu.memory_space<hbm>> -> memref<104x64xf32, #tpu.memory_space<hbm>>
    %dma_wait3A_123 = arith.constant 0 : i32
    %dma_wait3A_124 = arith.constant 0 : i32
    %dma_wait3A_125 = tpu.memref_slice %arg3[%dma_wait3A_123, %dma_wait3A_124] : memref<1000000x64xf32, #tpu.memory_space<hbm>> -> memref<104x64xf32, #tpu.memory_space<hbm>>
    tpu.wait_dma2 semaphore(%arg18 : memref<!tpu.dma_semaphore, #tpu.memory_space<semaphore_mem>>) src(%dma_wait3A_125 : memref<104x64xf32, #tpu.memory_space<hbm>>) dst(%arg9 : memref<104x64xf32, #tpu.memory_space<vmem>>)
    %scan3A_126 = arith.constant 0 : i32
    %scan3A_127 = arith.constant 0 : i32
    %scan3A_128 = arith.constant 50 : i32
    %scan3A_129 = arith.addi %scan3A_127, %scan3A_128 : i32
    %scan3A_130 = arith.constant 1 : i32
    %scan3A_131 = scf.for %scan3A_149 = %scan3A_127 to %scan3A_129 step %scan3A_130 iter_args(%scan3A_150 = %scan3A_126) -> (i32)  : i32 {
      %get3A = arith.index_cast %scan3A_149 : i32 to index
      %get3A_151 = arith.constant 0 : index
      %get3A_152 = tpu.vector_load %arg11[%get3A, %get3A_151] {strides = array<i32>} : memref<50x64xf32, #tpu.memory_space<vmem>>, vector<1x16xf32>,
      %get3A_153 = vector.shape_cast %get3A_152 : vector<1x16xf32> to vector<16xf32>
      %get3A_154 = arith.index_cast %scan3A_149 : i32 to index
      %get3A_155 = arith.constant 16 : index
      %get3A_156 = tpu.vector_load %arg11[%get3A_154, %get3A_155] {strides = array<i32>} : memref<50x64xf32, #tpu.memory_space<vmem>>, vector<1x16xf32>,
      %get3A_157 = vector.shape_cast %get3A_156 : vector<1x16xf32> to vector<16xf32>
      %get3A_158 = arith.index_cast %scan3A_149 : i32 to index
      %get3A_159 = arith.constant 32 : index
      %get3A_160 = tpu.vector_load %arg11[%get3A_158, %get3A_159] {strides = array<i32>} : memref<50x64xf32, #tpu.memory_space<vmem>>, vector<1x16xf32>,
      %get3A_161 = vector.shape_cast %get3A_160 : vector<1x16xf32> to vector<16xf32>
      %get3A_162 = arith.index_cast %scan3A_149 : i32 to index
      %get3A_163 = arith.constant 48 : index
      %get3A_164 = tpu.vector_load %arg11[%get3A_162, %get3A_163] {strides = array<i32>} : memref<50x64xf32, #tpu.memory_space<vmem>>, vector<1x16xf32>,
      %get3A_165 = vector.shape_cast %get3A_164 : vector<1x16xf32> to vector<16xf32>
      %add3A_166 = arith.constant 0 : i32
      %add3A_167 = arith.addi %add3A_166, %scan3A_149 : i32
      %get3A_168 = arith.index_cast %add3A_167 : i32 to index
      %get3A_169 = arith.constant 0 : index
      %get3A_170 = tpu.vector_load %arg10[%get3A_168, %get3A_169] {strides = array<i32>} : memref<104x64xf32, #tpu.memory_space<vmem>>, vector<1x16xf32>,
      %get3A_171 = vector.shape_cast %get3A_170 : vector<1x16xf32> to vector<16xf32>
      %add3A_172 = arith.addf %get3A_171, %get3A_153 : vector<16xf32>
      %swap3A = arith.index_cast %add3A_167 : i32 to index
      %swap3A_173 = arith.constant 0 : index
      %swap3A_174 = tpu.vector_load %arg10[%swap3A, %swap3A_173] {strides = array<i32>} : memref<104x64xf32, #tpu.memory_space<vmem>>, vector<1x16xf32>,
      %swap3A_175 = vector.shape_cast %swap3A_174 : vector<1x16xf32> to vector<16xf32>
      %swap3A_176 = vector.shape_cast %add3A_172 : vector<16xf32> to vector<1x16xf32>
      tpu.vector_store %arg10[%swap3A, %swap3A_173], %swap3A_176 {strides = array<i32>} : memref<104x64xf32, #tpu.memory_space<vmem>>, vector<1x16xf32>,
      %get3A_177 = arith.index_cast %add3A_167 : i32 to index
      %get3A_178 = arith.constant 16 : index
      %get3A_179 = tpu.vector_load %arg10[%get3A_177, %get3A_178] {strides = array<i32>} : memref<104x64xf32, #tpu.memory_space<vmem>>, vector<1x16xf32>,
      %get3A_180 = vector.shape_cast %get3A_179 : vector<1x16xf32> to vector<16xf32>
      %add3A_181 = arith.addf %get3A_180, %get3A_157 : vector<16xf32>
      %swap3A_182 = arith.index_cast %add3A_167 : i32 to index
      %swap3A_183 = arith.constant 16 : index
      %swap3A_184 = tpu.vector_load %arg10[%swap3A_182, %swap3A_183] {strides = array<i32>} : memref<104x64xf32, #tpu.memory_space<vmem>>, vector<1x16xf32>,
      %swap3A_185 = vector.shape_cast %swap3A_184 : vector<1x16xf32> to vector<16xf32>
      %swap3A_186 = vector.shape_cast %add3A_181 : vector<16xf32> to vector<1x16xf32>
      tpu.vector_store %arg10[%swap3A_182, %swap3A_183], %swap3A_186 {strides = array<i32>} : memref<104x64xf32, #tpu.memory_space<vmem>>, vector<1x16xf32>,
      %get3A_187 = arith.index_cast %add3A_167 : i32 to index
      %get3A_188 = arith.constant 32 : index
      %get3A_189 = tpu.vector_load %arg10[%get3A_187, %get3A_188] {strides = array<i32>} : memref<104x64xf32, #tpu.memory_space<vmem>>, vector<1x16xf32>,
      %get3A_190 = vector.shape_cast %get3A_189 : vector<1x16xf32> to vector<16xf32>
      %add3A_191 = arith.addf %get3A_190, %get3A_161 : vector<16xf32>
      %swap3A_192 = arith.index_cast %add3A_167 : i32 to index
      %swap3A_193 = arith.constant 32 : index
      %swap3A_194 = tpu.vector_load %arg10[%swap3A_192, %swap3A_193] {strides = array<i32>} : memref<104x64xf32, #tpu.memory_space<vmem>>, vector<1x16xf32>,
      %swap3A_195 = vector.shape_cast %swap3A_194 : vector<1x16xf32> to vector<16xf32>
      %swap3A_196 = vector.shape_cast %add3A_191 : vector<16xf32> to vector<1x16xf32>
      tpu.vector_store %arg10[%swap3A_192, %swap3A_193], %swap3A_196 {strides = array<i32>} : memref<104x64xf32, #tpu.memory_space<vmem>>, vector<1x16xf32>,
      %get3A_197 = arith.index_cast %add3A_167 : i32 to index
      %get3A_198 = arith.constant 48 : index
      %get3A_199 = tpu.vector_load %arg10[%get3A_197, %get3A_198] {strides = array<i32>} : memref<104x64xf32, #tpu.memory_space<vmem>>, vector<1x16xf32>,
      %get3A_200 = vector.shape_cast %get3A_199 : vector<1x16xf32> to vector<16xf32>
      %add3A_201 = arith.addf %get3A_200, %get3A_165 : vector<16xf32>
      %swap3A_202 = arith.index_cast %add3A_167 : i32 to index
      %swap3A_203 = arith.constant 48 : index
      %swap3A_204 = tpu.vector_load %arg10[%swap3A_202, %swap3A_203] {strides = array<i32>} : memref<104x64xf32, #tpu.memory_space<vmem>>, vector<1x16xf32>,
      %swap3A_205 = vector.shape_cast %swap3A_204 : vector<1x16xf32> to vector<16xf32>
      %swap3A_206 = vector.shape_cast %add3A_201 : vector<16xf32> to vector<1x16xf32>
      tpu.vector_store %arg10[%swap3A_202, %swap3A_203], %swap3A_206 {strides = array<i32>} : memref<104x64xf32, #tpu.memory_space<vmem>>, vector<1x16xf32>,
      %add3A_207 = arith.constant 50 : i32
      %add3A_208 = arith.addi %add3A_207, %scan3A_149 : i32
      %get3A_209 = arith.index_cast %add3A_208 : i32 to index
      %get3A_210 = arith.constant 0 : index
      %get3A_211 = tpu.vector_load %arg10[%get3A_209, %get3A_210] {strides = array<i32>} : memref<104x64xf32, #tpu.memory_space<vmem>>, vector<1x16xf32>,
      %get3A_212 = vector.shape_cast %get3A_211 : vector<1x16xf32> to vector<16xf32>
      %add3A_213 = arith.addf %get3A_212, %get3A_153 : vector<16xf32>
      %swap3A_214 = arith.index_cast %add3A_208 : i32 to index
      %swap3A_215 = arith.constant 0 : index
      %swap3A_216 = tpu.vector_load %arg10[%swap3A_214, %swap3A_215] {strides = array<i32>} : memref<104x64xf32, #tpu.memory_space<vmem>>, vector<1x16xf32>,
      %swap3A_217 = vector.shape_cast %swap3A_216 : vector<1x16xf32> to vector<16xf32>
      %swap3A_218 = vector.shape_cast %add3A_213 : vector<16xf32> to vector<1x16xf32>
      tpu.vector_store %arg10[%swap3A_214, %swap3A_215], %swap3A_218 {strides = array<i32>} : memref<104x64xf32, #tpu.memory_space<vmem>>, vector<1x16xf32>,
      %get3A_219 = arith.index_cast %add3A_208 : i32 to index
      %get3A_220 = arith.constant 16 : index
      %get3A_221 = tpu.vector_load %arg10[%get3A_219, %get3A_220] {strides = array<i32>} : memref<104x64xf32, #tpu.memory_space<vmem>>, vector<1x16xf32>,
      %get3A_222 = vector.shape_cast %get3A_221 : vector<1x16xf32> to vector<16xf32>
      %add3A_223 = arith.addf %get3A_222, %get3A_157 : vector<16xf32>
      %swap3A_224 = arith.index_cast %add3A_208 : i32 to index
      %swap3A_225 = arith.constant 16 : index
      %swap3A_226 = tpu.vector_load %arg10[%swap3A_224, %swap3A_225] {strides = array<i32>} : memref<104x64xf32, #tpu.memory_space<vmem>>, vector<1x16xf32>,
      %swap3A_227 = vector.shape_cast %swap3A_226 : vector<1x16xf32> to vector<16xf32>
      %swap3A_228 = vector.shape_cast %add3A_223 : vector<16xf32> to vector<1x16xf32>
      tpu.vector_store %arg10[%swap3A_224, %swap3A_225], %swap3A_228 {strides = array<i32>} : memref<104x64xf32, #tpu.memory_space<vmem>>, vector<1x16xf32>,
      %get3A_229 = arith.index_cast %add3A_208 : i32 to index
      %get3A_230 = arith.constant 32 : index
      %get3A_231 = tpu.vector_load %arg10[%get3A_229, %get3A_230] {strides = array<i32>} : memref<104x64xf32, #tpu.memory_space<vmem>>, vector<1x16xf32>,
      %get3A_232 = vector.shape_cast %get3A_231 : vector<1x16xf32> to vector<16xf32>
      %add3A_233 = arith.addf %get3A_232, %get3A_161 : vector<16xf32>
      %swap3A_234 = arith.index_cast %add3A_208 : i32 to index
      %swap3A_235 = arith.constant 32 : index
      %swap3A_236 = tpu.vector_load %arg10[%swap3A_234, %swap3A_235] {strides = array<i32>} : memref<104x64xf32, #tpu.memory_space<vmem>>, vector<1x16xf32>,
      %swap3A_237 = vector.shape_cast %swap3A_236 : vector<1x16xf32> to vector<16xf32>
      %swap3A_238 = vector.shape_cast %add3A_233 : vector<16xf32> to vector<1x16xf32>
      tpu.vector_store %arg10[%swap3A_234, %swap3A_235], %swap3A_238 {strides = array<i32>} : memref<104x64xf32, #tpu.memory_space<vmem>>, vector<1x16xf32>,
      %get3A_239 = arith.index_cast %add3A_208 : i32 to index
      %get3A_240 = arith.constant 48 : index
      %get3A_241 = tpu.vector_load %arg10[%get3A_239, %get3A_240] {strides = array<i32>} : memref<104x64xf32, #tpu.memory_space<vmem>>, vector<1x16xf32>,
      %get3A_242 = vector.shape_cast %get3A_241 : vector<1x16xf32> to vector<16xf32>
      %add3A_243 = arith.addf %get3A_242, %get3A_165 : vector<16xf32>
      %swap3A_244 = arith.index_cast %add3A_208 : i32 to index
      %swap3A_245 = arith.constant 48 : index
      %swap3A_246 = tpu.vector_load %arg10[%swap3A_244, %swap3A_245] {strides = array<i32>} : memref<104x64xf32, #tpu.memory_space<vmem>>, vector<1x16xf32>,
      %swap3A_247 = vector.shape_cast %swap3A_246 : vector<1x16xf32> to vector<16xf32>
      %swap3A_248 = vector.shape_cast %add3A_243 : vector<16xf32> to vector<1x16xf32>
      tpu.vector_store %arg10[%swap3A_244, %swap3A_245], %swap3A_248 {strides = array<i32>} : memref<104x64xf32, #tpu.memory_space<vmem>>, vector<1x16xf32>,
      %scan3A_249 = arith.constant 0 : i32
      scf.yield %scan3A_249 : i32
    }
    %scan3A_132 = arith.constant 50 : i32
    %mul3A_133 = arith.constant 64 : i32
    %mul3A_134 = arith.muli %add3A, %mul3A_133 : i32
    %add3A_135 = arith.constant 63 : i32
    %add3A_136 = arith.addi %mul3A_134, %add3A_135 : i32
    %mul3A_137 = arith.constant 104 : i32
    %mul3A_138 = arith.muli %add3A_136, %mul3A_137 : i32
    %dma_start3A_139 = arith.constant 0 : i32
    %dma_start3A_140 = tpu.memref_slice %arg5[%mul3A_138, %dma_start3A_139] : memref<212992x64xf32, #tpu.memory_space<hbm>> -> memref<104x64xf32, #tpu.memory_space<hbm>>
    %dma_start3A_141 = arith.constant 0 : i32
    %dma_start3A_142 = tpu.memref_slice %arg5[%mul3A_138, %dma_start3A_141] : memref<212992x64xf32, #tpu.memory_space<hbm>> -> memref<104x64xf32, #tpu.memory_space<hbm>>
    tpu.enqueue_dma source(%arg10 : memref<104x64xf32, #tpu.memory_space<vmem>>) target(%dma_start3A_142 : memref<104x64xf32, #tpu.memory_space<hbm>>) target_semaphore(%arg19 : memref<!tpu.dma_semaphore, #tpu.memory_space<semaphore_mem>>)
    %dma_wait3A_143 = arith.constant 0 : i32
    %dma_wait3A_144 = arith.constant 0 : i32
    %dma_wait3A_145 = tpu.memref_slice %arg3[%dma_wait3A_143, %dma_wait3A_144] : memref<1000000x64xf32, #tpu.memory_space<hbm>> -> memref<104x64xf32, #tpu.memory_space<hbm>>
    %dma_wait3A_146 = arith.constant 0 : i32
    %dma_wait3A_147 = arith.constant 0 : i32
    %dma_wait3A_148 = tpu.memref_slice %arg3[%dma_wait3A_146, %dma_wait3A_147] : memref<1000000x64xf32, #tpu.memory_space<hbm>> -> memref<104x64xf32, #tpu.memory_space<hbm>>
    tpu.wait_dma2 semaphore(%arg19 : memref<!tpu.dma_semaphore, #tpu.memory_space<semaphore_mem>>) src(%dma_wait3A_148 : memref<104x64xf32, #tpu.memory_space<hbm>>) dst(%arg10 : memref<104x64xf32, #tpu.memory_space<vmem>>)
    return
  }
}

</mosaic_0001>

<sc_bundles>
// kernel: kernel.3.cloned.1.call-start
scs
__scs_entry_jumppad:
0x0: {  	(pc) =	sbr.rel $0x88, $3  }
0x1: {  	(tag) =	ssettag $0x0;
	lr =	simm.s32 $0x1  }
0x2: {  	[smem:$0x3F9F] =	sst lr;
	_ =	strace $0xD0000000  }
0x3: {  	_ = 	snop  }
0x4: {  	_ = 	snop  }
0x5: {  	_ = 	snop  }
0x6: {  	_ = 	snop  }
0x7: {  	_ = 	snop  }
__scs_overlays_trampoline_lowered:
0x8: {  	[smem:$0x3FAE] =	sst s0  }
0x9: {  	[smem:$0x3FAF] =	sst s1  }
0xa: {  	[smem:$0x3FB0] =	sst s2  }
0xb: {  	[smem:$0x3FB1] =	sst s3  }
0xc: {  	[smem:$0x3FB2] =	sst s4  }
0xd: {  	[smem:$0x3FB3] =	sst s5  }
0xe: {  	[smem:$0x3FB4] =	sst s6  }
0xf: {  	[smem:$0x3FB5] =	sst s7  }
0x10: {  	[smem:$0x3FB6] =	sst s8  }
0x11: {  	[smem:$0x3FB7] =	sst s9;
	s0 =	simm.s32 @!p0 $0x0  }
0x12: {  	s1 =	sld [smem:$0x3F9D];
	s0 =	simm.s32 @p0 $0x1  }
0x13: {  	[smem:$0x3FB8] =	sst s0;
	s0 =	simm.s32 @!p1 $0x0  }
0x14: {  	s2 =	sld [smem:$0x3F9C];
	s0 =	simm.s32 @p1 $0x1  }
0x15: {  	[smem:$0x3FB9] =	sst s0;
	s0 =	simm.s32 @!p2 $0x0  }
0x16: {  	s3 =	sld [smem:$0x3FDB];
	s0 =	simm.s32 @p2 $0x1  }
0x17: {  	s4 =	simm.s32 $0x1BF5;
	[smem:$0x3FBB] =	sst s0  }
0x18: {  	s0 =	sld [smem:$0x3F9E];
	_ =	swait.ge [sflag:s4], $0x0  }
0x19: {  	s7 =	sld [smem:$0x3F9F]  }
0x1a: {  	s8 =	sadd.s32 $0xFFFFE003, lr  }
0x1b: {  	s9 =	sadd.s32 $0xFFFFFEF7, lr;
	s5 =	simm.s32 $0xFFFFFFFF;
	p2 =	slt.u32 s8, $0xFFFFF086  }
0x1c: {  	p1 =	slt.u32 s9, $0xF7A;
	s5 =	simm.s32 @!p2 $0x0  }
0x1d: {  	s5 =	simm.s32 @p1 $0x1;
	p0 =	seq.s32 s7, s2  }
0x1e: {  	s7 =	smul.u32 @!p0 $0xF7A, s2;
	p2 =	seq.s32 @!p0 s5, $0x0  }
0x1f: {  	s9 =	smul.u32 $0xF7A, s1;
	s8 =	simm.s32 @!p0 $0x1BF5;
	p2 =	por !p2, p0  }
0x20: {  	[sflag:s8] =	ssyncset.s32 @!p0 $0xFFFFF086;
	s6 =	sadd.s32 @!p0 s3, s7;
	s7 =	simm.s32 @!p0 $0x108  }
0x21: {  	s3 =	sadd.s32 s3, s9;
	s6 =	sadd.s32 @!p0 $0x88, s6;
	s7 =	simm.s32 @p2 $0x1082  }
0x22: {  	[simem:s7], [sflag:s8] =	dma.local @!p0 [hbm:s6], $0xF7A  }
0x23: {  	s9 =	sor.u32 $0xD0000000, s2;
	s6 =	simm.s32 $0x108;
	_ =	swait.ge @!p0 [sflag:s8], $0x0  }
0x24: {  	s3 =	sadd.s32 $0x88, s3;
	s6 =	simm.s32 @!p1 $0x1082;
	[sflag:s4] =	ssyncset.s32 $0xFFFFF086  }
0x25: {  	[simem:s6], [sflag:s4] =	dma.local [hbm:s3], $0xF7A  }
0x26: {  	[smem:$0x3F9F] =	sst s1;
	(tag) =	ssettag s2;
	_ =	strace s9  }
0x27: {  	s1 =	sld [smem:$0x3FAF]  }
0x28: {  	s2 =	sld [smem:$0x3FB0]  }
0x29: {  	s4 =	sld [smem:$0x3FB2]  }
0x2a: {  	p0 =	seq.s32 s5, $0x0;
	s5 =	sld [smem:$0x3FB3]  }
0x2b: {  	s6 =	sld [smem:$0x3FB4]  }
0x2c: {  	s7 =	sld [smem:$0x3FB5]  }
0x2d: {  	s3 =	simm.s32 $0x108;
	s8 =	sld [smem:$0x3FB6]  }
0x2e: {  	s3 =	simm.s32 @!p0 $0x1082;
	s9 =	sld [smem:$0x3FB7]  }
0x2f: {  	lr =	sadd.s32 s0, s3;
	s0 =	sld [smem:$0x3FAE]  }
0x30: {  	s3 =	sld [smem:$0x3FB1]  }
0x31: {  	[smem:$0x3FBA] =	sst s10  }
0x32: {  	s10 =	sld [smem:$0x3FB8];
	_ =	sdelay $0x3  }
0x33: {  	p0 =	seq.s32 s10, $0x1;
	s10 =	sld [smem:$0x3FBA];
	_ =	sdelay $0x3  }
0x34: {  	[smem:$0x3FBA] =	sst s10  }
0x35: {  	s10 =	sld [smem:$0x3FB9];
	_ =	sdelay $0x3  }
0x36: {  	p1 =	seq.s32 s10, $0x1;
	s10 =	sld [smem:$0x3FBA];
	_ =	sdelay $0x3  }
0x37: {  	[smem:$0x3FBA] =	sst s10  }
0x38: {  	s10 =	sld [smem:$0x3FBB]  }
0x39: {  	_ = 	snop;
	(pc) =	sbr.ind lr, $3  }
0x3a: {  	_ = 	snop  }
0x3b: {  	_ = 	snop  }
0x3c: {  	p2 =	seq.s32 s10, $0x1;
	s10 =	sld [smem:$0x3FBA]  }
0x3d: {  	_ =	shalt  }
0x3e: {  	_ =	shalt  }
0x3f: {  	_ =	shalt  }
0x40: {  	_ =	shalt  }
0x41: {  	_ =	shalt  }
0x42: {  	_ =	shalt  }
0x43: {  	_ =	shalt  }
0x44: {  	_ =	shalt  }
0x45: {  	_ =	shalt  }
0x46: {  	_ =	shalt  }
0x47: {  	_ =	shalt  }
0x48: {  	_ =	shalt  }
0x49: {  	_ =	shalt  }
0x4a: {  	_ =	shalt  }
0x4b: {  	_ =	shalt  }
0x4c: {  	_ =	shalt  }
0x4d: {  	_ =	shalt  }
0x4e: {  	_ =	shalt  }
0x4f: {  	_ =	shalt  }
0x50: {  	_ =	shalt  }
0x51: {  	_ =	shalt  }
0x52: {  	_ =	shalt  }
0x53: {  	_ =	shalt  }
0x54: {  	_ =	shalt  }
0x55: {  	_ =	shalt  }
0x56: {  	_ =	shalt  }
0x57: {  	_ =	shalt  }
0x58: {  	_ =	shalt  }
0x59: {  	_ =	shalt  }
0x5a: {  	_ =	shalt  }
0x5b: {  	_ =	shalt  }
0x5c: {  	_ =	shalt  }
0x5d: {  	_ =	shalt  }
0x5e: {  	_ =	shalt  }
0x5f: {  	_ =	shalt  }
0x60: {  	_ =	shalt  }
0x61: {  	_ =	shalt  }
0x62: {  	_ =	shalt  }
0x63: {  	_ =	shalt  }
0x64: {  	_ =	shalt  }
0x65: {  	_ =	shalt  }
0x66: {  	_ =	shalt  }
0x67: {  	_ =	shalt  }
0x68: {  	_ =	shalt  }
0x69: {  	_ =	shalt  }
0x6a: {  	_ =	shalt  }
0x6b: {  	_ =	shalt  }
0x6c: {  	_ =	shalt  }
0x6d: {  	_ =	shalt  }
0x6e: {  	_ =	shalt  }
0x6f: {  	_ =	shalt  }
0x70: {  	_ =	shalt  }
0x71: {  	_ =	shalt  }
0x72: {  	_ =	shalt  }
0x73: {  	_ =	shalt  }
0x74: {  	_ =	shalt  }
0x75: {  	_ =	shalt  }
0x76: {  	_ =	shalt  }
0x77: {  	_ =	shalt  }
0x78: {  	_ =	shalt  }
0x79: {  	_ =	shalt  }
0x7a: {  	_ =	shalt  }
0x7b: {  	_ =	shalt  }
0x7c: {  	_ =	shalt  }
0x7d: {  	_ =	shalt  }
0x7e: {  	_ =	shalt  }
0x7f: {  	_ =	shalt  }
0x80: {  	_ =	shalt  }
0x81: {  	_ =	shalt  }
0x82: {  	_ =	shalt  }
0x83: {  	_ =	shalt  }
0x84: {  	_ =	shalt  }
0x85: {  	_ =	shalt  }
0x86: {  	_ =	shalt  }
0x87: {  	_ =	shalt  }
.Lfunc_end0:
.L_simem_size_0:
called_computation.1_lowered:
.L_overlay_start_0:
0x88: {  	s2 =	sld [smem:$0x3FD9]  }
0x89: {  	s3 =	sld [smem:$0x3FFE];
	_ =	sdelay $0x1  }
0x8a: {  	s1 =	srdreg.scid  }
0x8b: {  	s0 =	sand.u32 $0x1, s1  }
0x8c: {  	s17 =	sshll.u32 s0, $0xA;
	s2 =	sadd.s32 s3, s2  }
0x8d: {  	s2 =	sadd.s32 s2, s17  }
0x8e: {  	[smem:$0x3FC6] =	sst s2  }
0x8f: {  	_ = 	snop  }
0x90: {  	s2 =	sld [smem:$0x3FD0];
	(tm) =	ssettm $0x1  }
0x91: {  	s18 =	sld [smem:$0x3FFB];
	_ =	sdelay $0x3  }
0x92: {  	_ =	strace s18  }
0x93: {  	s3 =	sld [smem:$0x3FFC];
	_ =	sdelay $0x3  }
0x94: {  	_ =	strace s3  }
0x95: {  	s3 =	sld [smem:$0x3FFD];
	_ =	sdelay $0x3  }
0x96: {  	_ =	strace s3  }
0x97: {  	_ =	strace $0x8FFFFFFF  }
0x98: {  	s19 =	sld [smem:$0x3FDB];
	_ =	sdelay $0x1  }
0x99: {  	s4 =	simm.s32 $_scs_section_size  }
0x9a: {  	s5 =	simm.s32 $_size__tile_overlayer_lowered;
	s6 =	simm.s32 $_tile_overlayer_lowered  }
0x9b: {  	s22 =	simm.s32 $0x1BFF;
	s21 =	sshll.u32 s6, $0x1;
	s3 =	sadd.s32 s4, s19  }
0x9c: {  	s7 =	simm.s32 $0x0;
	s20 =	sshll.u32 s5, $0x1;
	s5 =	sadd.s32 s21, s3  }
0x9d: {  	[timem:s7], [sflag:s22] =	dma.local [hbm:s5], s20  }
0x9e: {  	_ =	swait.ge [sflag:s22], s20  }
0x9f: {  	s4 =	ssub.s32 $0x0, s20;
	[sflag:s22] =	ssyncset.done $0x0  }
0xa0: {  	[sflag:s22] =	ssyncadd.s32 s4;
	_ =	sdelay $0x1  }
0xa1: {  	s23 =	simm.s32 $0x1B8B  }
0xa2: {  	_ =	swait.ge [sflag:s23], $0x1  }
0xa3: {  	[sflag:s23] =	ssyncset.done $0x0  }
0xa4: {  	s25 =	simm.s32 $0x1B8E;
	s24 =	sld [smem:$0x3FFE];
	[sflag:s23] =	ssyncadd.s32 $0xFFFFFFFF  }
0xa5: {  	s26 =	simm.s32 $execute0_lowered;
	[smem:$0x3FD2] =	sst s25  }
0xa6: {  	s5 =	sshll.u32 s26, $0x1;
	_ =	strace $0x80000046;
	[dreg:$0x1] =	wrdreg $0xFFFFFFFF  }
0xa7: {  	s28 =	simm.s32 $_size_execute0_lowered;
	s3 =	sadd.s32 s3, s5;
	[dreg:$0x0] =	wrdreg $0x0  }
0xa8: {  	s5 =	sshll.u32 s28, $0x1;
	[dreg:$0x2] =	wrdreg s3  }
0xa9: {  	[dreg:$0x3] =	wrdreg s5  }
0xaa: {  	[dreg:$0x4] =	wrdreg $0xC0  }
0xab: {  	_ =	task [dreg:s7], $0x5FFFF  }
0xac: {  	[dreg:$0x1] =	wrdreg $0xFFFFFFFF  }
0xad: {  	[dreg:$0x0] =	wrdreg $0x60  }
0xae: {  	[dreg:$0x2] =	wrdreg s2  }
0xaf: {  	[dreg:$0x3] =	wrdreg s24  }
0xb0: {  	[dreg:$0x4] =	wrdreg $0x9  }
0xb1: {  	_ =	task.clear_ibuf [dreg:s7], $0x5FFFF;
	_ =	strace $0x90000046  }
0xb2: {  	s29 =	simm.s32 $0x9;
	_ =	strace $0x80000048  }
0xb3: {  	_ =	swait.ge [sflag:s29], $0x1  }
0xb4: {  	[sflag:s29] =	ssyncadd.s32 $0xFFFFFFFF  }
0xb5: {  	_ =	strace $0x90000048  }
0xb6: {  	_ =	sfence  }
0xb7: {  	s30 =	sld [smem:$0x0];
	_ =	sdelay $0x2  }
0xb8: {  	s31 =	sshll.u32 s1, $0xD;
	s1 =	sshrl.u32 s1, $0x2  }
0xb9: {  	s3 =	sand.u32 $0x4000, s31;
	s1 =	sadd.s32 s1, s30  }
0xba: {  	s0 =	sor.u32 s3, s0;
	s1 =	sshll.u32 s1, $0x11  }
0xbb: {  	s0 =	sor.u32 s1, s0  }
0xbc: {  	s0 =	sadd.s32 $0x8F2B, s0  }
0xbd: {  	[sflag:s0] =	ssyncadd.remote.s32 $0x1  }
0xbe: {  	_ =	sfence.sel $0xFFFF  }
0xbf: {  	[dreg:$0x0] =	wrdreg $0xFFFFFFFF;
	(pc) =	sbr.abs _section_cstart, $3  }
0xc0: {  	[dreg:$0x1] =	wrdreg $0xFFFFFFFF  }
0xc1: {  	_ =	task.clear_ibuf [dreg:s7], $0x2FFFF;
	_ =	strace $0x9FFFFFFF  }
0xc2: {  	(tm) =	ssettm $0x7FFFFFFF  }
0xc3: {  	_ =	shalt  }
tec
execute0_lowered:
.L_overlay_start_1:
0x0: {  	(tag) =	ssettag $0x1  }
0x1: {  	s0 =	rddreg [dreg:$0x0]  }
0x2: {  	s1 =	rddreg [dreg:$0x1];
	s2 =	simm.s32 $0x0  }
0x3: {  	s3 =	srdreg.scid;
	s5 =	stileid.u32;
	s14 =	simm.s32 $0x9  }
0x4: {  	s15 =	simm.s32 $0x68;
	s16 =	simm.s32 $0x1A00;
	s17 =	simm.s32 $0x3400  }
0x5: {  	s19 =	simm.s32 $0x4E00;
	s20 =	simm.s32 $0x1;
	s22 =	simm.s32 $0x6800  }
0x6: {  	s28 =	simm.s32 $0x4;
	s29 =	simm.s32 $0x7;
	s30 =	simm.s32 $0x8  }
0x7: {  	s31 =	simm.s32 $0x0;
	[smem:$0x7FF] =	sst s2;
	s4 =	sand.u32 $0x1, s3  }
0x8: {  	s23 =	sshll.u32 s5, $0x1;
	s3 =	sadd.s32 $0xF43600, s1;
	s24 =	sadd.s32 $0xE00, s1  }
0x9: {  	s5 =	sadd.s32 $0x1000, s1;
	_ =	strace $0x80000047;
	s6 =	sor.u32 s4, s23  }
0xa: {  	[dreg:$0x3] =	wrdreg s24;
	s25 =	ssub.s32 $0x2, s4;
	s7 =	smul.u32 $0x68000, s6  }
0xb: {  	s23 =	simm.s32 $0x2;
	s24 =	simm.s32 $0x5;
	s26 =	smul.u32 $0x340, s6  }
0xc: {  	s8 =	sshrl.u32 s25, $0x1;
	s9 =	smul.u32 $0xD000, s6;
	s6 =	sshll.u32 s6, $0x6  }
0xd: {  	s1 =	ssub.s32 s25, s8;
	s25 =	simm.s32 $0x3;
	s7 =	sshrl.u32 s7, $0x3  }
0xe: {  	s0 =	sadd.s32 s0, s26;
	s8 =	sadd.s32 s5, s9;
	s12 =	smax.u32 s1, $0x1  }
0xf: {  	s26 =	simm.s32 $0x6;
	s11 =	sadd.s32 s5, s7;
	[dreg:$0x4] =	wrdreg s0  }
0x10: {  	s9 =	sadd.s32 $0xC640, s11;
	s10 =	sadd.s32 $0xC980, s11;
	s11 =	sadd.s32 $0xCCC0, s11  }
.LBB2_1:
0x11: {  	s0 =	rddreg [dreg:$0x3];
	s1 =	simm.s32 $0x8200  }
0x12: {  	[tilespmem:s1], [sflag:$0x9] =	stream.linear.gather [hbm4b:s0+s2], $0xC80, $0x38;
	[tilespmem:$0x8E80] =	vst v63  }
0x13: {  	_ =	swait.ge [sflag:s14], $0xC80  }
0x14: {  	[sflag:s14] =	ssyncset.done $0x0  }
0x15: {  	s13 =	rddreg [dreg:$0x4];
	[sflag:s14] =	ssyncadd.s32 $0xFFFFF380  }
0x16: {  	[tilespmem:s2], [sflag:$0x9] =	stream.linear.gather [hbm4b:s13+s2], $0x1A00, $0x38;
	[tilespmem:$0x8E80] =	vst v63  }
0x17: {  	_ =	swait.ge [sflag:s14], $0x1A00  }
0x18: {  	[sflag:s14] =	ssyncset.done $0x0  }
0x19: {  	[sflag:s14] =	ssyncadd.s32 $0xFFFFE600  }
0x1a: {  	[tilespmem:s16], [sflag:$0x1] =	stream.indirect.gather [hbm4b:s3+s15], $0x40, s2, s15, $0xb8;
	[tilespmem:$0x8E80] =	vst v63  }
0x1b: {  	_ = 	snop  }
0x1c: {  	[tilespmem:s17], [sflag:$0x2] =	stream.indirect.gather [hbm4b:s3+s15], $0x40, s15, s15, $0xb8;
	[tilespmem:$0x8E80] =	vst v63  }
0x1d: {  	s18 =	simm.s32 $0xD0  }
0x1e: {  	[tilespmem:s19], [sflag:$0x3] =	stream.indirect.gather [hbm4b:s3+s15], $0x40, s18, s15, $0xb8;
	[tilespmem:$0x8E80] =	vst v63  }
0x1f: {  	_ =	swait.ge [sflag:s20], $0x1A00  }
0x20: {  	[sflag:s20] =	ssyncset.done $0x0  }
0x21: {  	s21 =	simm.s32 $0x138;
	s0 =	simm.s32 $0x0;
	[sflag:s20] =	ssyncadd.s32 $0xFFFFE600  }
0x22: {  	[tilespmem:s22], [sflag:$0x4] =	stream.indirect.gather [hbm4b:s3+s15], $0x40, s21, s15, $0xb8;
	[tilespmem:$0x8E80] =	vst v63  }
0x23: {  	v3 =	vld [tilespmem:s0+$0x8200]  }
0x24: {  	v2 =	vld [tilespmem:s0+$0x8210]  }
0x25: {  	v1 =	vld [tilespmem:s0+$0x8220]  }
0x26: {  	v0 =	vld [tilespmem:s0+$0x8230]  }
0x27: {  	v5 =	vld [tilespmem:s0+$0x1A00]  }
0x28: {  	v9 =	vld [tilespmem:s0+$0x1A10]  }
0x29: {  	v8 =	vld [tilespmem:s0+$0x1A20]  }
0x2a: {  	v7 =	vld [tilespmem:s0+$0x1A30]  }
0x2b: {  	v6 =	vld [tilespmem:s0+$0x2680]  }
0x2c: {  	v4 =	vld [tilespmem:s0+$0x2690];
	v10 =	vadd.f32 v5, v3  }
0x2d: {  	s1 =	simm.s32 $0x100;
	v9 =	vadd.f32 v9, v2;
	v5 =	vld [tilespmem:s0+$0x26A0]  }
.LBB2_2:
0x2e: {  	s4 =	sshra.s32 s1, $0x2;
	p0 =	sne.s32 s1, $0x3100;
	[tilespmem:s0+$0x1A00] =	vst v10;
	v8 =	vadd.f32 v8, v1;
	v10 =	vld [tilespmem:s0+$0x26B0]  }
0x2f: {  	v11 =	vld [tilespmem:s4+$0x8200];
	[tilespmem:s0+$0x1A10] =	vst v9;
	v7 =	vadd.f32 v7, v0  }
0x30: {  	v9 =	vld [tilespmem:s4+$0x8210];
	[tilespmem:s0+$0x1A20] =	vst v8;
	v3 =	vadd.f32 v6, v3  }
0x31: {  	v6 =	vld [tilespmem:s4+$0x8220];
	[tilespmem:s0+$0x1A30] =	vst v7;
	v2 =	vadd.f32 v4, v2  }
0x32: {  	v4 =	vld [tilespmem:s4+$0x8230];
	[tilespmem:s0+$0x2680] =	vst v3;
	v1 =	vadd.f32 v5, v1  }
0x33: {  	v5 =	vld [tilespmem:s4+$0x1A00];
	[tilespmem:s0+$0x2690] =	vst v2;
	v0 =	vadd.f32 v10, v0  }
0x34: {  	v12 =	vld [tilespmem:s4+$0x1A10];
	[tilespmem:s0+$0x26A0] =	vst v1;
	v3 =	vmov v11  }
.Ltmp0:
0x35: {  	v8 =	vld [tilespmem:s4+$0x1A20];
	[tilespmem:s0+$0x26B0] =	vst v0;
	v2 =	vmov v9;
	s0 =	smov.u32 s4;
	(pc) =	sbr.rel @p0 .LBB2_2-.Ltmp0, $4  }
0x36: {  	v7 =	vld [tilespmem:s0+$0x1A30];
	v1 =	vmov v6  }
0x37: {  	v6 =	vld [tilespmem:s0+$0x2680];
	v0 =	vmov v4  }
0x38: {  	v10 =	vadd.f32 v5, v3;
	v4 =	vld [tilespmem:s0+$0x2690]  }
0x39: {  	s1 =	sadd.s32 $0x100, s1;
	v9 =	vadd.f32 v12, v2;
	v5 =	vld [tilespmem:s0+$0x26A0]  }
0x3a: {  	[tilespmem:s0+$0x1A00] =	vst v10;
	v8 =	vadd.f32 v8, v1;
	v61 =	vld [tilespmem:s0+$0x26B0]  }
0x3b: {  	[tilespmem:s0+$0x1A10] =	vst v9;
	v7 =	vadd.f32 v7, v0  }
0x3c: {  	[tilespmem:s0+$0x1A20] =	vst v8;
	v3 =	vadd.f32 v6, v3  }
0x3d: {  	[tilespmem:s0+$0x1A30] =	vst v7;
	v2 =	vadd.f32 v4, v2  }
0x3e: {  	[tilespmem:s0+$0x2680] =	vst v3;
	v62 =	vadd.f32 v5, v1  }
0x3f: {  	[tilespmem:s0+$0x2690] =	vst v2;
	v63 =	vadd.f32 v61, v0  }
0x40: {  	[tilespmem:s0+$0x26A0] =	vst v62  }
0x41: {  	[tilespmem:s0+$0x26B0] =	vst v63;
	s0 =	simm.s32 $0x0  }
0x42: {  	[hbm4b:s8+s0] =	stream.linear.scatter [tilespmem:s16], [sflag:$0x5], $0x1A00, $0x38;
	[tilespmem:$0x8E80] =	vst v63  }
.LBB2_4:
0x43: {  	_ =	swait.ge [sflag:s23], $0x1A00  }
0x44: {  	s13 =	sshll.u32 s0, $0x2;
	[sflag:s23] =	ssyncset.done $0x0  }
0x45: {  	s1 =	sadd.s32 $0x4, s13;
	[sflag:s23] =	ssyncadd.s32 $0xFFFFE600  }
0x46: {  	s4 =	smul.u32 $0x1A0, s1;
	_ =	swait.ge [sflag:s24], $0x1A00  }
0x47: {  	[sflag:s24] =	ssyncset.done $0x0  }
0x48: {  	s18 =	simm.s32 $0x0;
	s4 =	sshra.s32 s4, $0x2;
	[sflag:s24] =	ssyncadd.s32 $0xFFFFE600  }
0x49: {  	[tilespmem:s16], [sflag:$0x1] =	stream.indirect.gather [hbm4b:s3+s15], $0x40, s4, s15, $0xb8;
	[tilespmem:$0x8E80] =	vst v63  }
0x4a: {  	v3 =	vld [tilespmem:s18+$0x8200]  }
0x4b: {  	v2 =	vld [tilespmem:s18+$0x8210]  }
0x4c: {  	v1 =	vld [tilespmem:s18+$0x8220]  }
0x4d: {  	v0 =	vld [tilespmem:s18+$0x8230]  }
0x4e: {  	v4 =	vld [tilespmem:s18+$0x3400]  }
0x4f: {  	v9 =	vld [tilespmem:s18+$0x3410]  }
0x50: {  	v8 =	vld [tilespmem:s18+$0x3420]  }
0x51: {  	v7 =	vld [tilespmem:s18+$0x3430]  }
0x52: {  	v6 =	vld [tilespmem:s18+$0x4080]  }
0x53: {  	v5 =	vld [tilespmem:s18+$0x4090];
	v10 =	vadd.f32 v4, v3  }
0x54: {  	s21 =	simm.s32 $0x100;
	v9 =	vadd.f32 v9, v2;
	v4 =	vld [tilespmem:s18+$0x40A0]  }
.LBB2_5:
0x55: {  	s4 =	sshra.s32 s21, $0x2;
	p0 =	sne.s32 s21, $0x3100;
	[tilespmem:s18+$0x3400] =	vst v10;
	v8 =	vadd.f32 v8, v1;
	v10 =	vld [tilespmem:s18+$0x40B0]  }
0x56: {  	v11 =	vld [tilespmem:s4+$0x8200];
	[tilespmem:s18+$0x3410] =	vst v9;
	v7 =	vadd.f32 v7, v0  }
0x57: {  	v9 =	vld [tilespmem:s4+$0x8210];
	[tilespmem:s18+$0x3420] =	vst v8;
	v3 =	vadd.f32 v6, v3  }
0x58: {  	v6 =	vld [tilespmem:s4+$0x8220];
	[tilespmem:s18+$0x3430] =	vst v7;
	v2 =	vadd.f32 v5, v2  }
0x59: {  	v5 =	vld [tilespmem:s4+$0x8230];
	[tilespmem:s18+$0x4080] =	vst v3;
	v1 =	vadd.f32 v4, v1  }
0x5a: {  	v4 =	vld [tilespmem:s4+$0x3400];
	[tilespmem:s18+$0x4090] =	vst v2;
	v0 =	vadd.f32 v10, v0  }
0x5b: {  	v12 =	vld [tilespmem:s4+$0x3410];
	[tilespmem:s18+$0x40A0] =	vst v1;
	v3 =	vmov v11  }
.Ltmp1:
0x5c: {  	v8 =	vld [tilespmem:s4+$0x3420];
	[tilespmem:s18+$0x40B0] =	vst v0;
	v2 =	vmov v9;
	s18 =	smov.u32 s4;
	(pc) =	sbr.rel @p0 .LBB2_5-.Ltmp1, $4  }
0x5d: {  	v7 =	vld [tilespmem:s18+$0x3430];
	v1 =	vmov v6  }
0x5e: {  	v6 =	vld [tilespmem:s18+$0x4080];
	v0 =	vmov v5  }
0x5f: {  	v10 =	vadd.f32 v4, v3;
	v5 =	vld [tilespmem:s18+$0x4090]  }
0x60: {  	s21 =	sadd.s32 $0x100, s21;
	v9 =	vadd.f32 v12, v2;
	v4 =	vld [tilespmem:s18+$0x40A0]  }
0x61: {  	[tilespmem:s18+$0x3400] =	vst v10;
	v8 =	vadd.f32 v8, v1;
	v10 =	vld [tilespmem:s18+$0x40B0]  }
0x62: {  	[tilespmem:s18+$0x3410] =	vst v9;
	v7 =	vadd.f32 v7, v0  }
0x63: {  	[tilespmem:s18+$0x3420] =	vst v8;
	v3 =	vadd.f32 v6, v3  }
0x64: {  	s4 =	sadd.s32 s13, s6;
	[tilespmem:s18+$0x3430] =	vst v7;
	v2 =	vadd.f32 v5, v2  }
0x65: {  	s4 =	smul.u32 $0x340, s4;
	[tilespmem:s18+$0x4080] =	vst v3;
	v1 =	vadd.f32 v4, v1  }
0x66: {  	[tilespmem:s18+$0x4090] =	vst v2;
	v0 =	vadd.f32 v10, v0  }
0x67: {  	s13 =	sadd.s32 s5, s4;
	[tilespmem:s18+$0x40A0] =	vst v1  }
0x68: {  	s7 =	simm.s32 $0x0;
	s4 =	sadd.s32 $0x340, s13;
	[tilespmem:s18+$0x40B0] =	vst v0  }
0x69: {  	[hbm4b:s4+s7] =	stream.linear.scatter [tilespmem:s17], [sflag:$0x6], $0x1A00, $0x38;
	[tilespmem:$0x8E80] =	vst v63  }
0x6a: {  	_ =	swait.ge [sflag:s25], $0x1A00  }
0x6b: {  	[sflag:s25] =	ssyncset.done $0x0  }
0x6c: {  	s21 =	smul.u32 $0x680, s0;
	[sflag:s25] =	ssyncadd.s32 $0xFFFFE600  }
0x6d: {  	_ =	swait.ge [sflag:s26], $0x1A00  }
0x6e: {  	s18 =	sshra.s32 s21, $0x2;
	[sflag:s26] =	ssyncset.done $0x0  }
0x6f: {  	s21 =	simm.s32 $0x0;
	s4 =	sadd.s32 $0x208, s18;
	[sflag:s26] =	ssyncadd.s32 $0xFFFFE600  }
0x70: {  	[tilespmem:s17], [sflag:$0x2] =	stream.indirect.gather [hbm4b:s3+s15], $0x40, s4, s15, $0xb8;
	[tilespmem:$0x8E80] =	vst v63  }
0x71: {  	v3 =	vld [tilespmem:s21+$0x8200]  }
0x72: {  	v2 =	vld [tilespmem:s21+$0x8210]  }
0x73: {  	v1 =	vld [tilespmem:s21+$0x8220]  }
0x74: {  	v0 =	vld [tilespmem:s21+$0x8230]  }
0x75: {  	v5 =	vld [tilespmem:s21+$0x4E00]  }
0x76: {  	v9 =	vld [tilespmem:s21+$0x4E10]  }
0x77: {  	v8 =	vld [tilespmem:s21+$0x4E20]  }
0x78: {  	v7 =	vld [tilespmem:s21+$0x4E30]  }
0x79: {  	v6 =	vld [tilespmem:s21+$0x5A80]  }
0x7a: {  	v4 =	vld [tilespmem:s21+$0x5A90];
	v10 =	vadd.f32 v5, v3  }
0x7b: {  	s4 =	simm.s32 $0x100;
	v9 =	vadd.f32 v9, v2;
	v5 =	vld [tilespmem:s21+$0x5AA0]  }
.LBB2_7:
0x7c: {  	s7 =	sshra.s32 s4, $0x2;
	p0 =	sne.s32 s4, $0x3100;
	[tilespmem:s21+$0x4E00] =	vst v10;
	v8 =	vadd.f32 v8, v1;
	v10 =	vld [tilespmem:s21+$0x5AB0]  }
0x7d: {  	v11 =	vld [tilespmem:s7+$0x8200];
	[tilespmem:s21+$0x4E10] =	vst v9;
	v7 =	vadd.f32 v7, v0  }
0x7e: {  	v9 =	vld [tilespmem:s7+$0x8210];
	[tilespmem:s21+$0x4E20] =	vst v8;
	v3 =	vadd.f32 v6, v3  }
0x7f: {  	v6 =	vld [tilespmem:s7+$0x8220];
	[tilespmem:s21+$0x4E30] =	vst v7;
	v2 =	vadd.f32 v4, v2  }
0x80: {  	v4 =	vld [tilespmem:s7+$0x8230];
	[tilespmem:s21+$0x5A80] =	vst v3;
	v1 =	vadd.f32 v5, v1  }
0x81: {  	v5 =	vld [tilespmem:s7+$0x4E00];
	[tilespmem:s21+$0x5A90] =	vst v2;
	v0 =	vadd.f32 v10, v0  }
0x82: {  	v12 =	vld [tilespmem:s7+$0x4E10];
	[tilespmem:s21+$0x5AA0] =	vst v1;
	v3 =	vmov v11  }
.Ltmp2:
0x83: {  	v8 =	vld [tilespmem:s7+$0x4E20];
	[tilespmem:s21+$0x5AB0] =	vst v0;
	v2 =	vmov v9;
	s21 =	smov.u32 s7;
	(pc) =	sbr.rel @p0 .LBB2_7-.Ltmp2, $4  }
0x84: {  	v7 =	vld [tilespmem:s21+$0x4E30];
	v1 =	vmov v6  }
0x85: {  	v6 =	vld [tilespmem:s21+$0x5A80];
	v0 =	vmov v4  }
0x86: {  	v10 =	vadd.f32 v5, v3;
	v4 =	vld [tilespmem:s21+$0x5A90]  }
0x87: {  	s4 =	sadd.s32 $0x100, s4;
	v9 =	vadd.f32 v12, v2;
	v5 =	vld [tilespmem:s21+$0x5AA0]  }
0x88: {  	[tilespmem:s21+$0x4E00] =	vst v10;
	v8 =	vadd.f32 v8, v1;
	v10 =	vld [tilespmem:s21+$0x5AB0]  }
0x89: {  	[tilespmem:s21+$0x4E10] =	vst v9;
	v7 =	vadd.f32 v7, v0  }
0x8a: {  	[tilespmem:s21+$0x4E20] =	vst v8;
	v3 =	vadd.f32 v6, v3  }
0x8b: {  	[tilespmem:s21+$0x4E30] =	vst v7;
	v2 =	vadd.f32 v4, v2  }
0x8c: {  	[tilespmem:s21+$0x5A80] =	vst v3;
	v1 =	vadd.f32 v5, v1  }
0x8d: {  	[tilespmem:s21+$0x5A90] =	vst v2;
	v0 =	vadd.f32 v10, v0  }
0x8e: {  	[tilespmem:s21+$0x5AA0] =	vst v1  }
0x8f: {  	s4 =	sadd.s32 $0x680, s13;
	s7 =	simm.s32 $0x0;
	[tilespmem:s21+$0x5AB0] =	vst v0  }
0x90: {  	[hbm4b:s4+s7] =	stream.linear.scatter [tilespmem:s19], [sflag:$0x7], $0x1A00, $0x38;
	[tilespmem:$0x8E80] =	vst v63  }
0x91: {  	_ =	swait.ge [sflag:s28], $0x1A00  }
0x92: {  	[sflag:s28] =	ssyncset.done $0x0  }
0x93: {  	[sflag:s28] =	ssyncadd.s32 $0xFFFFE600  }
0x94: {  	_ =	swait.ge [sflag:s29], $0x1A00  }
0x95: {  	[sflag:s29] =	ssyncset.done $0x0  }
0x96: {  	s21 =	sadd.s32 $0x270, s18;
	[sflag:s29] =	ssyncadd.s32 $0xFFFFE600  }
0x97: {  	[tilespmem:s19], [sflag:$0x3] =	stream.indirect.gather [hbm4b:s3+s15], $0x40, s21, s15, $0xb8;
	[tilespmem:$0x8E80] =	vst v63  }
0x98: {  	s21 =	simm.s32 $0x0  }
0x99: {  	v3 =	vld [tilespmem:s21+$0x8200]  }
0x9a: {  	v2 =	vld [tilespmem:s21+$0x8210]  }
0x9b: {  	v1 =	vld [tilespmem:s21+$0x8220]  }
0x9c: {  	v0 =	vld [tilespmem:s21+$0x8230]  }
0x9d: {  	v5 =	vld [tilespmem:s21+$0x6800]  }
0x9e: {  	v9 =	vld [tilespmem:s21+$0x6810]  }
0x9f: {  	v8 =	vld [tilespmem:s21+$0x6820]  }
0xa0: {  	v7 =	vld [tilespmem:s21+$0x6830]  }
0xa1: {  	v6 =	vld [tilespmem:s21+$0x7480]  }
0xa2: {  	v4 =	vld [tilespmem:s21+$0x7490];
	v10 =	vadd.f32 v5, v3  }
0xa3: {  	s4 =	simm.s32 $0x100;
	v9 =	vadd.f32 v9, v2;
	v5 =	vld [tilespmem:s21+$0x74A0]  }
.LBB2_9:
0xa4: {  	s7 =	sshra.s32 s4, $0x2;
	p0 =	sne.s32 s4, $0x3100;
	[tilespmem:s21+$0x6800] =	vst v10;
	v8 =	vadd.f32 v8, v1;
	v10 =	vld [tilespmem:s21+$0x74B0]  }
0xa5: {  	v11 =	vld [tilespmem:s7+$0x8200];
	[tilespmem:s21+$0x6810] =	vst v9;
	v7 =	vadd.f32 v7, v0  }
0xa6: {  	v9 =	vld [tilespmem:s7+$0x8210];
	[tilespmem:s21+$0x6820] =	vst v8;
	v3 =	vadd.f32 v6, v3  }
0xa7: {  	v6 =	vld [tilespmem:s7+$0x8220];
	[tilespmem:s21+$0x6830] =	vst v7;
	v2 =	vadd.f32 v4, v2  }
0xa8: {  	v4 =	vld [tilespmem:s7+$0x8230];
	[tilespmem:s21+$0x7480] =	vst v3;
	v1 =	vadd.f32 v5, v1  }
0xa9: {  	v5 =	vld [tilespmem:s7+$0x6800];
	[tilespmem:s21+$0x7490] =	vst v2;
	v0 =	vadd.f32 v10, v0  }
0xaa: {  	v12 =	vld [tilespmem:s7+$0x6810];
	[tilespmem:s21+$0x74A0] =	vst v1;
	v3 =	vmov v11  }
.Ltmp3:
0xab: {  	v8 =	vld [tilespmem:s7+$0x6820];
	[tilespmem:s21+$0x74B0] =	vst v0;
	v2 =	vmov v9;
	s21 =	smov.u32 s7;
	(pc) =	sbr.rel @p0 .LBB2_9-.Ltmp3, $4  }
0xac: {  	v7 =	vld [tilespmem:s21+$0x6830];
	v1 =	vmov v6  }
0xad: {  	v6 =	vld [tilespmem:s21+$0x7480];
	v0 =	vmov v4  }
0xae: {  	v10 =	vadd.f32 v5, v3;
	v4 =	vld [tilespmem:s21+$0x7490]  }
0xaf: {  	s4 =	sadd.s32 $0x100, s4;
	v9 =	vadd.f32 v12, v2;
	v5 =	vld [tilespmem:s21+$0x74A0]  }
0xb0: {  	[tilespmem:s21+$0x6800] =	vst v10;
	v8 =	vadd.f32 v8, v1;
	v10 =	vld [tilespmem:s21+$0x74B0]  }
0xb1: {  	[tilespmem:s21+$0x6810] =	vst v9;
	v7 =	vadd.f32 v7, v0  }
0xb2: {  	[tilespmem:s21+$0x6820] =	vst v8;
	v3 =	vadd.f32 v6, v3  }
0xb3: {  	[tilespmem:s21+$0x6830] =	vst v7;
	v2 =	vadd.f32 v4, v2  }
0xb4: {  	[tilespmem:s21+$0x7480] =	vst v3;
	v1 =	vadd.f32 v5, v1  }
0xb5: {  	[tilespmem:s21+$0x7490] =	vst v2;
	v0 =	vadd.f32 v10, v0  }
0xb6: {  	[tilespmem:s21+$0x74A0] =	vst v1  }
0xb7: {  	s4 =	sadd.s32 $0x9C0, s13;
	s7 =	simm.s32 $0x0;
	[tilespmem:s21+$0x74B0] =	vst v0  }
0xb8: {  	[hbm4b:s4+s7] =	stream.linear.scatter [tilespmem:s22], [sflag:$0x8], $0x1A00, $0x38;
	[tilespmem:$0x8E80] =	vst v63  }
0xb9: {  	_ =	swait.ge [sflag:s20], $0x1A00  }
0xba: {  	[sflag:s20] =	ssyncset.done $0x0  }
0xbb: {  	[sflag:s20] =	ssyncadd.s32 $0xFFFFE600  }
0xbc: {  	_ =	swait.ge [sflag:s30], $0x1A00  }
0xbd: {  	[sflag:s30] =	ssyncset.done $0x0  }
0xbe: {  	s13 =	simm.s32 $0x0;
	s21 =	sadd.s32 $0x2D8, s18;
	[sflag:s30] =	ssyncadd.s32 $0xFFFFE600  }
0xbf: {  	[tilespmem:s22], [sflag:$0x4] =	stream.indirect.gather [hbm4b:s3+s15], $0x40, s21, s15, $0xb8;
	[tilespmem:$0x8E80] =	vst v63  }
0xc0: {  	v3 =	vld [tilespmem:s13+$0x8200]  }
0xc1: {  	v2 =	vld [tilespmem:s13+$0x8210]  }
0xc2: {  	v1 =	vld [tilespmem:s13+$0x8220]  }
0xc3: {  	v0 =	vld [tilespmem:s13+$0x8230]  }
0xc4: {  	v5 =	vld [tilespmem:s13+$0x1A00]  }
0xc5: {  	v9 =	vld [tilespmem:s13+$0x1A10]  }
0xc6: {  	v8 =	vld [tilespmem:s13+$0x1A20]  }
0xc7: {  	v7 =	vld [tilespmem:s13+$0x1A30]  }
0xc8: {  	v6 =	vld [tilespmem:s13+$0x2680]  }
0xc9: {  	v4 =	vld [tilespmem:s13+$0x2690];
	v10 =	vadd.f32 v5, v3  }
0xca: {  	s4 =	simm.s32 $0x100;
	v9 =	vadd.f32 v9, v2;
	v5 =	vld [tilespmem:s13+$0x26A0]  }
.LBB2_11:
0xcb: {  	s7 =	sshra.s32 s4, $0x2;
	p0 =	sne.s32 s4, $0x3100;
	[tilespmem:s13+$0x1A00] =	vst v10;
	v8 =	vadd.f32 v8, v1;
	v10 =	vld [tilespmem:s13+$0x26B0]  }
0xcc: {  	v11 =	vld [tilespmem:s7+$0x8200];
	[tilespmem:s13+$0x1A10] =	vst v9;
	v7 =	vadd.f32 v7, v0  }
0xcd: {  	v9 =	vld [tilespmem:s7+$0x8210];
	[tilespmem:s13+$0x1A20] =	vst v8;
	v3 =	vadd.f32 v6, v3  }
0xce: {  	v6 =	vld [tilespmem:s7+$0x8220];
	[tilespmem:s13+$0x1A30] =	vst v7;
	v2 =	vadd.f32 v4, v2  }
0xcf: {  	v4 =	vld [tilespmem:s7+$0x8230];
	[tilespmem:s13+$0x2680] =	vst v3;
	v1 =	vadd.f32 v5, v1  }
0xd0: {  	v5 =	vld [tilespmem:s7+$0x1A00];
	[tilespmem:s13+$0x2690] =	vst v2;
	v0 =	vadd.f32 v10, v0  }
0xd1: {  	v12 =	vld [tilespmem:s7+$0x1A10];
	[tilespmem:s13+$0x26A0] =	vst v1;
	v3 =	vmov v11  }
.Ltmp4:
0xd2: {  	v8 =	vld [tilespmem:s7+$0x1A20];
	[tilespmem:s13+$0x26B0] =	vst v0;
	v2 =	vmov v9;
	s13 =	smov.u32 s7;
	(pc) =	sbr.rel @p0 .LBB2_11-.Ltmp4, $4  }
0xd3: {  	v7 =	vld [tilespmem:s13+$0x1A30];
	v1 =	vmov v6  }
0xd4: {  	v6 =	vld [tilespmem:s13+$0x2680];
	v0 =	vmov v4  }
0xd5: {  	v10 =	vadd.f32 v5, v3;
	v4 =	vld [tilespmem:s13+$0x2690]  }
0xd6: {  	s4 =	sadd.s32 $0x100, s4;
	v9 =	vadd.f32 v12, v2;
	v5 =	vld [tilespmem:s13+$0x26A0]  }
0xd7: {  	[tilespmem:s13+$0x1A00] =	vst v10;
	v8 =	vadd.f32 v8, v1;
	v61 =	vld [tilespmem:s13+$0x26B0]  }
0xd8: {  	[tilespmem:s13+$0x1A10] =	vst v9;
	v7 =	vadd.f32 v7, v0  }
0xd9: {  	s0 =	sadd.s32 $0x1, s0;
	[tilespmem:s13+$0x1A20] =	vst v8;
	v3 =	vadd.f32 v6, v3  }
0xda: {  	p0 =	sne.s32 s0, $0xF;
	[tilespmem:s13+$0x1A30] =	vst v7;
	v2 =	vadd.f32 v4, v2  }
.Ltmp5:
0xdb: {  	s1 =	sadd.s32 s6, s1;
	[tilespmem:s13+$0x2680] =	vst v3;
	v62 =	vadd.f32 v5, v1;
	(pc) =	sbr.rel @p0 .LBB2_4-.Ltmp5, $4  }
0xdc: {  	s1 =	smul.u32 $0x340, s1;
	[tilespmem:s13+$0x2690] =	vst v2;
	v63 =	vadd.f32 v61, v0  }
0xdd: {  	[tilespmem:s13+$0x26A0] =	vst v62  }
0xde: {  	s1 =	sadd.s32 s5, s1;
	[tilespmem:s13+$0x26B0] =	vst v63  }
0xdf: {  	[hbm4b:s1+s2] =	stream.linear.scatter [tilespmem:s16], [sflag:$0x5], $0x1A00, $0x38;
	[tilespmem:$0x8E80] =	vst v63  }
0xe0: {  	_ =	swait.ge [sflag:s23], $0x1A00  }
0xe1: {  	[sflag:s23] =	ssyncset.done $0x0  }
0xe2: {  	[sflag:s23] =	ssyncadd.s32 $0xFFFFE600  }
0xe3: {  	_ =	swait.ge [sflag:s24], $0x1A00  }
0xe4: {  	[sflag:s24] =	ssyncset.done $0x0  }
0xe5: {  	s0 =	simm.s32 $0x0;
	[sflag:s24] =	ssyncadd.s32 $0xFFFFE600  }
0xe6: {  	v3 =	vld [tilespmem:s0+$0x8200]  }
0xe7: {  	v2 =	vld [tilespmem:s0+$0x8210]  }
0xe8: {  	v1 =	vld [tilespmem:s0+$0x8220]  }
0xe9: {  	v0 =	vld [tilespmem:s0+$0x8230]  }
0xea: {  	v5 =	vld [tilespmem:s0+$0x3400]  }
0xeb: {  	v9 =	vld [tilespmem:s0+$0x3410]  }
0xec: {  	v8 =	vld [tilespmem:s0+$0x3420]  }
0xed: {  	v7 =	vld [tilespmem:s0+$0x3430]  }
0xee: {  	v6 =	vld [tilespmem:s0+$0x4080]  }
0xef: {  	v4 =	vld [tilespmem:s0+$0x4090];
	v10 =	vadd.f32 v5, v3  }
0xf0: {  	s1 =	simm.s32 $0x100;
	v9 =	vadd.f32 v9, v2;
	v5 =	vld [tilespmem:s0+$0x40A0]  }
.LBB2_14:
0xf1: {  	s4 =	sshra.s32 s1, $0x2;
	p0 =	sne.s32 s1, $0x3100;
	[tilespmem:s0+$0x3400] =	vst v10;
	v8 =	vadd.f32 v8, v1;
	v10 =	vld [tilespmem:s0+$0x40B0]  }
0xf2: {  	v11 =	vld [tilespmem:s4+$0x8200];
	[tilespmem:s0+$0x3410] =	vst v9;
	v7 =	vadd.f32 v7, v0  }
0xf3: {  	v9 =	vld [tilespmem:s4+$0x8210];
	[tilespmem:s0+$0x3420] =	vst v8;
	v3 =	vadd.f32 v6, v3  }
0xf4: {  	v6 =	vld [tilespmem:s4+$0x8220];
	[tilespmem:s0+$0x3430] =	vst v7;
	v2 =	vadd.f32 v4, v2  }
0xf5: {  	v4 =	vld [tilespmem:s4+$0x8230];
	[tilespmem:s0+$0x4080] =	vst v3;
	v1 =	vadd.f32 v5, v1  }
0xf6: {  	v5 =	vld [tilespmem:s4+$0x3400];
	[tilespmem:s0+$0x4090] =	vst v2;
	v0 =	vadd.f32 v10, v0  }
0xf7: {  	v12 =	vld [tilespmem:s4+$0x3410];
	[tilespmem:s0+$0x40A0] =	vst v1;
	v3 =	vmov v11  }
.Ltmp6:
0xf8: {  	v8 =	vld [tilespmem:s4+$0x3420];
	[tilespmem:s0+$0x40B0] =	vst v0;
	v2 =	vmov v9;
	s0 =	smov.u32 s4;
	(pc) =	sbr.rel @p0 .LBB2_14-.Ltmp6, $4  }
0xf9: {  	v7 =	vld [tilespmem:s0+$0x3430];
	v1 =	vmov v6  }
0xfa: {  	v6 =	vld [tilespmem:s0+$0x4080];
	v0 =	vmov v4  }
0xfb: {  	v10 =	vadd.f32 v5, v3;
	v4 =	vld [tilespmem:s0+$0x4090]  }
0xfc: {  	s1 =	sadd.s32 $0x100, s1;
	v9 =	vadd.f32 v12, v2;
	v5 =	vld [tilespmem:s0+$0x40A0]  }
0xfd: {  	[tilespmem:s0+$0x3400] =	vst v10;
	v8 =	vadd.f32 v8, v1;
	v10 =	vld [tilespmem:s0+$0x40B0]  }
0xfe: {  	[tilespmem:s0+$0x3410] =	vst v9;
	v7 =	vadd.f32 v7, v0  }
0xff: {  	[tilespmem:s0+$0x3420] =	vst v8;
	v3 =	vadd.f32 v6, v3  }
0x100: {  	[tilespmem:s0+$0x3430] =	vst v7;
	v2 =	vadd.f32 v4, v2  }
0x101: {  	[tilespmem:s0+$0x4080] =	vst v3;
	v1 =	vadd.f32 v5, v1  }
0x102: {  	[tilespmem:s0+$0x4090] =	vst v2;
	v0 =	vadd.f32 v10, v0  }
0x103: {  	[tilespmem:s0+$0x40A0] =	vst v1  }
0x104: {  	s21 =	simm.s32 $0x0;
	[tilespmem:s0+$0x40B0] =	vst v0  }
0x105: {  	[hbm4b:s9+s21] =	stream.linear.scatter [tilespmem:s17], [sflag:$0x6], $0x1A00, $0x38;
	[tilespmem:$0x8E80] =	vst v63  }
0x106: {  	_ =	swait.ge [sflag:s25], $0x1A00  }
0x107: {  	[sflag:s25] =	ssyncset.done $0x0  }
0x108: {  	[sflag:s25] =	ssyncadd.s32 $0xFFFFE600  }
0x109: {  	_ =	swait.ge [sflag:s26], $0x1A00  }
0x10a: {  	[sflag:s26] =	ssyncset.done $0x0  }
0x10b: {  	s0 =	simm.s32 $0x0;
	[sflag:s26] =	ssyncadd.s32 $0xFFFFE600  }
0x10c: {  	v3 =	vld [tilespmem:s0+$0x8200]  }
0x10d: {  	v2 =	vld [tilespmem:s0+$0x8210]  }
0x10e: {  	v1 =	vld [tilespmem:s0+$0x8220]  }
0x10f: {  	v0 =	vld [tilespmem:s0+$0x8230]  }
0x110: {  	v5 =	vld [tilespmem:s0+$0x4E00]  }
0x111: {  	v9 =	vld [tilespmem:s0+$0x4E10]  }
0x112: {  	v8 =	vld [tilespmem:s0+$0x4E20]  }
0x113: {  	v7 =	vld [tilespmem:s0+$0x4E30]  }
0x114: {  	v6 =	vld [tilespmem:s0+$0x5A80]  }
0x115: {  	v4 =	vld [tilespmem:s0+$0x5A90];
	v10 =	vadd.f32 v5, v3  }
0x116: {  	s1 =	simm.s32 $0x100;
	v9 =	vadd.f32 v9, v2;
	v5 =	vld [tilespmem:s0+$0x5AA0]  }
.LBB2_16:
0x117: {  	s4 =	sshra.s32 s1, $0x2;
	p0 =	sne.s32 s1, $0x3100;
	[tilespmem:s0+$0x4E00] =	vst v10;
	v8 =	vadd.f32 v8, v1;
	v10 =	vld [tilespmem:s0+$0x5AB0]  }
0x118: {  	v11 =	vld [tilespmem:s4+$0x8200];
	[tilespmem:s0+$0x4E10] =	vst v9;
	v7 =	vadd.f32 v7, v0  }
0x119: {  	v9 =	vld [tilespmem:s4+$0x8210];
	[tilespmem:s0+$0x4E20] =	vst v8;
	v3 =	vadd.f32 v6, v3  }
0x11a: {  	v6 =	vld [tilespmem:s4+$0x8220];
	[tilespmem:s0+$0x4E30] =	vst v7;
	v2 =	vadd.f32 v4, v2  }
0x11b: {  	v4 =	vld [tilespmem:s4+$0x8230];
	[tilespmem:s0+$0x5A80] =	vst v3;
	v1 =	vadd.f32 v5, v1  }
0x11c: {  	v5 =	vld [tilespmem:s4+$0x4E00];
	[tilespmem:s0+$0x5A90] =	vst v2;
	v0 =	vadd.f32 v10, v0  }
0x11d: {  	v12 =	vld [tilespmem:s4+$0x4E10];
	[tilespmem:s0+$0x5AA0] =	vst v1;
	v3 =	vmov v11  }
.Ltmp7:
0x11e: {  	v8 =	vld [tilespmem:s4+$0x4E20];
	[tilespmem:s0+$0x5AB0] =	vst v0;
	v2 =	vmov v9;
	s0 =	smov.u32 s4;
	(pc) =	sbr.rel @p0 .LBB2_16-.Ltmp7, $4  }
0x11f: {  	v7 =	vld [tilespmem:s0+$0x4E30];
	v1 =	vmov v6  }
0x120: {  	v6 =	vld [tilespmem:s0+$0x5A80];
	v0 =	vmov v4  }
0x121: {  	v10 =	vadd.f32 v5, v3;
	v4 =	vld [tilespmem:s0+$0x5A90]  }
0x122: {  	s1 =	sadd.s32 $0x100, s1;
	v9 =	vadd.f32 v12, v2;
	v5 =	vld [tilespmem:s0+$0x5AA0]  }
0x123: {  	[tilespmem:s0+$0x4E00] =	vst v10;
	v8 =	vadd.f32 v8, v1;
	v10 =	vld [tilespmem:s0+$0x5AB0]  }
0x124: {  	[tilespmem:s0+$0x4E10] =	vst v9;
	v7 =	vadd.f32 v7, v0  }
0x125: {  	[tilespmem:s0+$0x4E20] =	vst v8;
	v3 =	vadd.f32 v6, v3  }
0x126: {  	[tilespmem:s0+$0x4E30] =	vst v7;
	v2 =	vadd.f32 v4, v2  }
0x127: {  	[tilespmem:s0+$0x5A80] =	vst v3;
	v1 =	vadd.f32 v5, v1  }
0x128: {  	[tilespmem:s0+$0x5A90] =	vst v2;
	v0 =	vadd.f32 v10, v0  }
0x129: {  	[tilespmem:s0+$0x5AA0] =	vst v1  }
0x12a: {  	s21 =	simm.s32 $0x0;
	[tilespmem:s0+$0x5AB0] =	vst v0  }
0x12b: {  	[hbm4b:s10+s21] =	stream.linear.scatter [tilespmem:s19], [sflag:$0x7], $0x1A00, $0x38;
	[tilespmem:$0x8E80] =	vst v63  }
0x12c: {  	_ =	swait.ge [sflag:s28], $0x1A00  }
0x12d: {  	[sflag:s28] =	ssyncset.done $0x0  }
0x12e: {  	[sflag:s28] =	ssyncadd.s32 $0xFFFFE600  }
0x12f: {  	_ =	swait.ge [sflag:s29], $0x1A00  }
0x130: {  	[sflag:s29] =	ssyncset.done $0x0  }
0x131: {  	s0 =	simm.s32 $0x0;
	[sflag:s29] =	ssyncadd.s32 $0xFFFFE600  }
0x132: {  	v3 =	vld [tilespmem:s0+$0x8200]  }
0x133: {  	v2 =	vld [tilespmem:s0+$0x8210]  }
0x134: {  	v1 =	vld [tilespmem:s0+$0x8220]  }
0x135: {  	v0 =	vld [tilespmem:s0+$0x8230]  }
0x136: {  	v5 =	vld [tilespmem:s0+$0x6800]  }
0x137: {  	v9 =	vld [tilespmem:s0+$0x6810]  }
0x138: {  	v8 =	vld [tilespmem:s0+$0x6820]  }
0x139: {  	v7 =	vld [tilespmem:s0+$0x6830]  }
0x13a: {  	v6 =	vld [tilespmem:s0+$0x7480]  }
0x13b: {  	v4 =	vld [tilespmem:s0+$0x7490];
	v10 =	vadd.f32 v5, v3  }
0x13c: {  	s1 =	simm.s32 $0x100;
	v9 =	vadd.f32 v9, v2;
	v5 =	vld [tilespmem:s0+$0x74A0]  }
.LBB2_18:
0x13d: {  	s4 =	sshra.s32 s1, $0x2;
	p0 =	sne.s32 s1, $0x3100;
	[tilespmem:s0+$0x6800] =	vst v10;
	v8 =	vadd.f32 v8, v1;
	v10 =	vld [tilespmem:s0+$0x74B0]  }
0x13e: {  	v11 =	vld [tilespmem:s4+$0x8200];
	[tilespmem:s0+$0x6810] =	vst v9;
	v7 =	vadd.f32 v7, v0  }
0x13f: {  	v9 =	vld [tilespmem:s4+$0x8210];
	[tilespmem:s0+$0x6820] =	vst v8;
	v3 =	vadd.f32 v6, v3  }
0x140: {  	v6 =	vld [tilespmem:s4+$0x8220];
	[tilespmem:s0+$0x6830] =	vst v7;
	v2 =	vadd.f32 v4, v2  }
0x141: {  	v4 =	vld [tilespmem:s4+$0x8230];
	[tilespmem:s0+$0x7480] =	vst v3;
	v1 =	vadd.f32 v5, v1  }
0x142: {  	v5 =	vld [tilespmem:s4+$0x6800];
	[tilespmem:s0+$0x7490] =	vst v2;
	v0 =	vadd.f32 v10, v0  }
0x143: {  	v12 =	vld [tilespmem:s4+$0x6810];
	[tilespmem:s0+$0x74A0] =	vst v1;
	v3 =	vmov v11  }
.Ltmp8:
0x144: {  	v8 =	vld [tilespmem:s4+$0x6820];
	[tilespmem:s0+$0x74B0] =	vst v0;
	v2 =	vmov v9;
	s0 =	smov.u32 s4;
	(pc) =	sbr.rel @p0 .LBB2_18-.Ltmp8, $4  }
0x145: {  	v7 =	vld [tilespmem:s0+$0x6830];
	v1 =	vmov v6  }
0x146: {  	v6 =	vld [tilespmem:s0+$0x7480];
	v0 =	vmov v4  }
0x147: {  	v10 =	vadd.f32 v5, v3;
	v4 =	vld [tilespmem:s0+$0x7490]  }
0x148: {  	s1 =	sadd.s32 $0x100, s1;
	v9 =	vadd.f32 v12, v2;
	v5 =	vld [tilespmem:s0+$0x74A0]  }
0x149: {  	[tilespmem:s0+$0x6800] =	vst v10;
	v8 =	vadd.f32 v8, v1;
	v61 =	vld [tilespmem:s0+$0x74B0]  }
0x14a: {  	[tilespmem:s0+$0x6810] =	vst v9;
	v7 =	vadd.f32 v7, v0  }
0x14b: {  	[tilespmem:s0+$0x6820] =	vst v8;
	v3 =	vadd.f32 v6, v3  }
0x14c: {  	[tilespmem:s0+$0x6830] =	vst v7;
	v2 =	vadd.f32 v4, v2  }
0x14d: {  	[tilespmem:s0+$0x7480] =	vst v3;
	v62 =	vadd.f32 v5, v1  }
0x14e: {  	s31 =	sadd.s32 $0x1, s31;
	[tilespmem:s0+$0x7490] =	vst v2;
	v63 =	vadd.f32 v61, v0  }
0x14f: {  	p0 =	sne.s32 s31, s12;
	[tilespmem:s0+$0x74A0] =	vst v62  }
.Ltmp9:
0x150: {  	[tilespmem:s0+$0x74B0] =	vst v63;
	(pc) =	sbr.rel @p0 .LBB2_1-.Ltmp9, $4  }
0x151: {  	[hbm4b:s11+s2] =	stream.linear.scatter [tilespmem:s22], [sflag:$0x8], $0x1A00, $0x38;
	[tilespmem:$0x8E80] =	vst v63  }
0x152: {  	_ =	swait.ge [sflag:s30], $0x1A00  }
0x153: {  	[sflag:s30] =	ssyncset.done $0x0  }
0x154: {  	[sflag:s30] =	ssyncadd.s32 $0xFFFFE600  }
0x155: {  	_ =	sfence.sel $0x180000  }
0x156: {  	[bflag:$0x0] =	sbarrier.arrive $0xFFFF  }
0x157: {  	_ =	strace $0x90000047  }
0x158: {  	s0 =	stileid.u32;
	[bflag:$0x2] =	sbarrier.arrive $0xFFFF  }
0x159: {  	p0 =	sne.s32 s0, $0x0;
	s0 =	rddreg [dreg:$0x2]  }
0x15a: {  	s0 =	sadd.s32 @!p0 $0x100000, s0  }
0x15b: {  	[sflag:s0] =	ssyncadd.tile.s32 @!p0 $0x1;
	_ =	shalt  }
.Lfunc_end2:
_tile_overlayer_lowered:
.L_overlay_start_2:
0x15c: {  	(tag) =	ssettag $0x2  }
0x15d: {  	s0 =	rddreg [dreg:$0x0];
	s2 =	stileid.u32  }
0x15e: {  	s1 =	rddreg [dreg:$0x1];
	p0 =	sne.s32 s2, $0x0  }
0x15f: {  	s3 =	rddreg [dreg:$0x2];
	[bflag:$0x3] =	sbarrier.arrive $0xFFFF;
	s2 =	simm.s32 @!p0 $0x1C09  }
0x160: {  	[timem:s3], [sflag:s2] =	dma.local @!p0 [hbm:s0], s1  }
0x161: {  	s0 =	simm.s32 @!p0 $0x9  }
0x162: {  	_ =	swait.ge @!p0 [sflag:s0], s1  }
0x163: {  	s1 =	ssub.s32 @!p0 $0x0, s1;
	[sflag:s0] =	ssyncset.done @!p0 $0x0  }
0x164: {  	[sflag:s0] =	ssyncadd.s32 @!p0 s1  }
0x165: {  	[bflag:$0x3] =	sbarrier.arrive $0xFFFF  }
0x166: {  	_ =	shalt  }

// kernel: sparse-core-data-format-call.cloned.1.call-start
scs
called_computation_lowered:
.L_overlay_start_0:
0x0: {  	s2 =	sld [smem:$0x3FD9]  }
0x1: {  	s3 =	sld [smem:$0x3FFE];
	_ =	sdelay $0x1  }
0x2: {  	s1 =	srdreg.scid  }
0x3: {  	s0 =	sand.u32 $0x1, s1  }
0x4: {  	s18 =	sshll.u32 s0, $0xA;
	s2 =	sadd.s32 s3, s2  }
0x5: {  	s2 =	sadd.s32 s2, s18  }
0x6: {  	[smem:$0x3FC6] =	sst s2  }
0x7: {  	_ = 	snop  }
0x8: {  	s2 =	sld [smem:$0x3FD0];
	(tm) =	ssettm $0x1  }
0x9: {  	s19 =	sld [smem:$0x3FFB];
	_ =	sdelay $0x3  }
0xa: {  	_ =	strace s19  }
0xb: {  	s3 =	sld [smem:$0x3FFC];
	_ =	sdelay $0x3  }
0xc: {  	_ =	strace s3  }
0xd: {  	s3 =	sld [smem:$0x3FFD];
	_ =	sdelay $0x3  }
0xe: {  	_ =	strace s3  }
0xf: {  	_ =	strace $0x8FFFFFFF  }
0x10: {  	s20 =	sld [smem:$0x3FDB];
	_ =	sdelay $0x1  }
0x11: {  	s4 =	simm.s32 $_scs_section_size  }
0x12: {  	s5 =	simm.s32 $_size__tile_overlayer_lowered;
	s6 =	simm.s32 $_tile_overlayer_lowered  }
0x13: {  	s23 =	simm.s32 $0x1BFF;
	s22 =	sshll.u32 s6, $0x1;
	s3 =	sadd.s32 s4, s20  }
0x14: {  	s7 =	simm.s32 $0x0;
	s21 =	sshll.u32 s5, $0x1;
	s5 =	sadd.s32 s22, s3  }
0x15: {  	[timem:s7], [sflag:s23] =	dma.local [hbm:s5], s21  }
0x16: {  	_ =	swait.ge [sflag:s23], s21  }
0x17: {  	s4 =	ssub.s32 $0x0, s21;
	[sflag:s23] =	ssyncset.done $0x0  }
0x18: {  	[sflag:s23] =	ssyncadd.s32 s4;
	_ =	sdelay $0x1  }
0x19: {  	s24 =	simm.s32 $0x1B8B  }
0x1a: {  	_ =	swait.ge [sflag:s24], $0x1  }
0x1b: {  	[sflag:s24] =	ssyncset.done $0x0  }
0x1c: {  	s26 =	simm.s32 $0x1B8E;
	s25 =	sld [smem:$0x3FFE];
	[sflag:s24] =	ssyncadd.s32 $0xFFFFFFFF  }
0x1d: {  	s27 =	simm.s32 $execute0_lowered;
	[smem:$0x3FD2] =	sst s26  }
0x1e: {  	s5 =	sshll.u32 s27, $0x1;
	_ =	strace $0x80000049;
	[dreg:$0x1] =	wrdreg $0xFFFFFFFF  }
0x1f: {  	s28 =	simm.s32 $_size_execute0_lowered;
	s3 =	sadd.s32 s3, s5;
	[dreg:$0x0] =	wrdreg $0x0  }
0x20: {  	s5 =	sshll.u32 s28, $0x1;
	[dreg:$0x2] =	wrdreg s3  }
0x21: {  	[dreg:$0x3] =	wrdreg s5  }
0x22: {  	[dreg:$0x4] =	wrdreg $0xC0  }
0x23: {  	_ =	task [dreg:s7], $0x5FFFF  }
0x24: {  	[dreg:$0x1] =	wrdreg $0xFFFFFFFF  }
0x25: {  	[dreg:$0x0] =	wrdreg $0x60  }
0x26: {  	[dreg:$0x2] =	wrdreg s25  }
0x27: {  	[dreg:$0x3] =	wrdreg s2  }
0x28: {  	[dreg:$0x4] =	wrdreg $0x9  }
0x29: {  	_ =	task.clear_ibuf [dreg:s7], $0x5FFFF;
	_ =	strace $0x90000049  }
0x2a: {  	s29 =	simm.s32 $0x9;
	_ =	strace $0x8000004B  }
0x2b: {  	_ =	swait.ge [sflag:s29], $0x1  }
0x2c: {  	[sflag:s29] =	ssyncadd.s32 $0xFFFFFFFF  }
0x2d: {  	_ =	strace $0x9000004B  }
0x2e: {  	_ =	sfence  }
0x2f: {  	s30 =	sld [smem:$0x0];
	_ =	sdelay $0x2  }
0x30: {  	s31 =	sshll.u32 s1, $0xD;
	s1 =	sshrl.u32 s1, $0x2  }
0x31: {  	s3 =	sand.u32 $0x4000, s31;
	s1 =	sadd.s32 s1, s30  }
0x32: {  	s0 =	sor.u32 s3, s0;
	s1 =	sshll.u32 s1, $0x11  }
0x33: {  	s0 =	sor.u32 s1, s0  }
0x34: {  	s0 =	sadd.s32 $0x8F2B, s0  }
0x35: {  	[sflag:s0] =	ssyncadd.remote.s32 $0x1  }
0x36: {  	_ =	sfence.sel $0xFFFF  }
0x37: {  	[dreg:$0x0] =	wrdreg $0xFFFFFFFF;
	(pc) =	sbr.abs _section_cstart, $3  }
0x38: {  	[dreg:$0x1] =	wrdreg $0xFFFFFFFF  }
0x39: {  	_ =	task.clear_ibuf [dreg:s7], $0x2FFFF;
	_ =	strace $0x9FFFFFFF  }
0x3a: {  	(tm) =	ssettm $0x7FFFFFFF  }
0x3b: {  	_ =	shalt  }
tec
execute0_lowered:
.L_overlay_start_1:
0x0: {  	(tag) =	ssettag $0x1  }
0x1: {  	s0 =	srdreg.scid  }
0x2: {  	s1 =	sshll.u32 s0, $0x4  }
0x3: {  	s0 =	stileid.u32;
	s1 =	sand.u32 $0x10, s1  }
0x4: {  	s1 =	sor.u32 s0, s1  }
0x5: {  	s6 =	rddreg [dreg:$0x0];
	s4 =	simm.s32 $0x1;
	s2 =	sshll.u32 s1, $0x7  }
0x6: {  	s7 =	simm.s32 $0x2;
	s12 =	simm.s32 $0x0;
	s1 =	ssub.s32 $0x1000, s2  }
0x7: {  	s8 =	simm.s32 $0x8000;
	s13 =	simm.s32 $0x0;
	s3 =	sand.u32 $0xF80, s1  }
0x8: {  	s9 =	simm.s32 $0x0;
	s5 =	sshrl.u32 s1, $0xC;
	p0 =	sne.s32 s3, $0x0  }
.Ltmp0:
0x9: {  	s1 =	rddreg [dreg:$0x2];
	s4 =	simm.s32 @!p0 $0x0;
	(pc) =	sbr.rel .LBB1_1-.Ltmp0, $4  }
0xa: {  	s11 =	simm.s32 $0x0;
	s3 =	rddreg [dreg:$0x1];
	s5 =	sadd.s32 s4, s5  }
0xb: {  	_ =	strace $0x8000004A;
	s4 =	simm.s32 $0x1;
	s5 =	smul.u32 $0x32, s5  }
0xc: {  	s6 =	sadd.s32 $0x4E1000, s6;
	s10 =	smov.u32 s2;
	[sflag:s4] =	ssyncpa.u1 $0x0  }
0xd: {  	p0 =	por $0x0, $0x0;
	[sflag:s7] =	ssyncpa.u1 $0x0;
	s7 =	sor.u32 $0x1, s5  }
.LBB1_4:
0xe: {  	s16 =	sshll.u32 s13, $0x3;
	s17 =	sand.u32 $0x78, s13  }
0xf: {  	s30 =	sand.u32 $0x7E00, s13;
	s12 =	sshll.u32 s12, $0xF;
	s16 =	sand.u32 $0xC00, s16  }
0x10: {  	[tilespmem:s15+$0x810 ss:$0x81] =	vst.msk $0xffff, v2;
	s31 =	sand.u32 $0x7, s13;
	s16 =	sor.u32 s17, s16;
	s17 =	sadd.s32 s3, s30  }
0x11: {  	[tilespmem:s15+$0x1020 ss:$0x81] =	vst.msk $0xffff, v0;
	s13 =	sshll.u32 s31, $0x12;
	s12 =	sadd.s32 s12, s17;
	s16 =	sshrl.u32 s16, $0x3  }
0x12: {  	[tilespmem:s15+$0x0 ss:$0x81] =	vst.msk $0xffff, v1;
	s13 =	sor.u32 $0x400, s13;
	s12 =	sadd.s32 s16, s12  }
0x13: {  	[hbm4b:s12+s13] =	stream.strided.scatter [tilespmem:s14], [sflag:$0x2], $0x2000, s8, s13, $0x20;
	[tilespmem:$0x8080] =	vst v63  }
.LBB1_5:
0x14: {  	s14 =	sadd.s32 $0x1, s9  }
0x15: {  	s12 =	sadd.s32 $0x1000, s10;
	s16 =	smov.u32 s10;
	p2 =	sgt.s32 s14, $0x31  }
0x16: {  	s16 =	smov.u32 @p2 s12  }
0x17: {  	s14 =	simm.s32 @p2 $0x0;
	p2 =	sgt.s32 s16, $0xFFF  }
0x18: {  	s16 =	smov.u32 @p2 s2;
	p2 =	sne.s32 s11, s7  }
.Ltmp1:
0x19: {  	p1 =	slt.u32 s11, $0x2;
	(pc) =	sbr.rel @!p2 .LBB1_6-.Ltmp1, $4  }
0x1a: {  	s15 =	simm.s32 @!p1 $0x2  }
0x1b: {  	s13 =	smov.u32 s10;
	p0 =	por !p0, !p0;
	_ =	swait.ge @!p1 [sflag:s15], $0x2000  }
0x1c: {  	s12 =	smov.u32 s9;
	[sflag:s15] =	ssyncset.done @!p1 $0x0;
	s9 =	smov.u32 s14  }
0x1d: {  	s11 =	sadd.s32 $0x1, s11;
	[sflag:s15] =	ssyncadd.s32 @!p1 $0xFFFFE000;
	s10 =	smov.u32 s16  }
.LBB1_1:
0x1e: {  	p1 =	sge.u32 s11, s5  }
0x1f: {  	s14 =	sand.u32 @!p1 $0x1FFFFFF, s9  }
0x20: {  	s15 =	smulhi.u32 @!p1 $0x4924925, s14;
	_ =	sdelay $0x1  }
0x21: {  	s15 =	smul.u32 @!p1 $0x38, s15  }
0x22: {  	s16 =	sxor.u32 @!p1 $0xFFFFFFFF, s11;
	s17 =	smul.u32 @!p1 $0x380, s10  }
0x23: {  	s31 =	sadd.s32 $0xFFFFFFFF, s11;
	s16 =	sshll.u32 @!p1 s16, $0xD;
	s14 =	ssub.s32 @!p1 s14, s15  }
0x24: {  	s15 =	sand.u32 @!p1 $0x2000, s16;
	s16 =	sadd.s32 @!p1 s6, s17;
	s14 =	sshll.u32 @!p1 s14, $0x4  }
0x25: {  	s17 =	simm.s32 @!p1 $0x1C00;
	s14 =	sadd.s32 @!p1 s14, s16;
	s16 =	simm.s32 @!p1 $0x40  }
0x26: {  	[tilespmem:s15], [sflag:$0x1] =	stream.strided.gather @!p1 [hbm4b:s14+s16], $0x2000, s17, s16, $0x38;
	[tilespmem:$0x8080] =	vst v63  }
0x27: {  	p1 =	sge.u32 s31, s5  }
.Ltmp2:
0x28: {  	_ = 	snop;
	(pc) =	sbr.rel @p1 .LBB1_5-.Ltmp2, $1  }
0x29: {  	_ =	sdelay $0x3  }
0x2a: {  	s14 =	simm.s32 $0x1  }
0x2b: {  	_ =	swait.ge [sflag:s4], $0x2000;
	s14 =	simm.s32 @!p0 $0x0  }
0x2c: {  	[sflag:s4] =	ssyncset.done $0x0;
	s15 =	sshll.u32 s14, $0xD  }
0x2d: {  	[sflag:s4] =	ssyncadd.s32 $0xFFFFE000;
	s18 =	sor.u32 $0x20, s15  }
0x2e: {  	s14 =	smul.u32 $0x8100, s14;
	v3 =	vld [tilespmem:s18+$0x10]  }
0x2f: {  	s30 =	sand.u32 $0x1, s11;
	v2 =	vld [tilespmem:s18+$0xFFFFFFF0]  }
0x30: {  	s15 =	smul.u32 $0x8100, s30;
	s14 =	sshrl.u32 s14, $0x2;
	v0 =	vld [tilespmem:s18+$0x0]  }
0x31: {  	v1 =	vld [tilespmem:s18+$0xFFFFFFE0];
	s16 =	sor.u32 $0x4000, s14  }
0x32: {  	s31 =	sshrl.u32 s15, $0x2;
	s15 =	sadd.s32 $0x0, s16  }
0x33: {  	s17 =	simm.s32 $0x4;
	s18 =	sadd.s32 $0x40, s18;
	s14 =	sor.u32 $0x4000, s31;
	[tilespmem:s15+$0x1830 ss:$0x81] =	vst.msk $0xffff, v3  }
.LBB1_3:
0x34: {  	v3 =	vld [tilespmem:s18+$0x10];
	p1 =	sne.s32 s17, $0x1FC;
	[tilespmem:s15+$0x810 ss:$0x81] =	vst.msk $0xffff, v2;
	s19 =	smov.u32 s17;
	s17 =	sadd.s32 $0x4, s17  }
.Ltmp3:
0x35: {  	v2 =	vld [tilespmem:s18+$0xFFFFFFF0];
	[tilespmem:s15+$0x1020 ss:$0x81] =	vst.msk $0xffff, v0;
	(pc) =	sbr.rel @p1 .LBB1_3-.Ltmp3, $4  }
0x36: {  	v0 =	vld [tilespmem:s18+$0x0];
	[tilespmem:s15+$0x0 ss:$0x81] =	vst.msk $0xffff, v1  }
0x37: {  	s15 =	sshra.s32 s19, $0x2;
	v1 =	vld [tilespmem:s18+$0xFFFFFFE0]  }
0x38: {  	s15 =	sadd.s32 s15, s16  }
0x39: {  	s18 =	sadd.s32 $0x40, s18;
	[tilespmem:s15+$0x1830 ss:$0x81] =	vst.msk $0xffff, v3  }
.Ltmp4:
0x3a: {  	_ = 	snop;
	(pc) =	sbr.rel .LBB1_4-.Ltmp4, $1  }
0x3b: {  	_ =	sdelay $0x3  }
.LBB1_6:
0x3c: {  	_ =	sfence.sel $0x180000  }
0x3d: {  	s2 =	simm.s32 $0x1;
	[bflag:$0x0] =	sbarrier.arrive $0xFFFF  }
0x3e: {  	s31 =	simm.s32 $0x2;
	[sflag:s2] =	ssyncpa.u1 $0x1  }
0x3f: {  	[sflag:s31] =	ssyncpa.u1 $0x1  }
0x40: {  	p0 =	sne.s32 s0, $0x0;
	_ =	strace $0x9000004A  }
0x41: {  	s0 =	sadd.s32 @!p0 $0x100000, s1;
	[bflag:$0x2] =	sbarrier.arrive $0xFFFF  }
0x42: {  	[sflag:s0] =	ssyncadd.tile.s32 @!p0 $0x1;
	_ =	shalt  }
.Lfunc_end1:
_tile_overlayer_lowered:
.L_overlay_start_2:
0x43: {  	(tag) =	ssettag $0x2  }
0x44: {  	s0 =	rddreg [dreg:$0x0];
	s2 =	stileid.u32  }
0x45: {  	s1 =	rddreg [dreg:$0x1];
	p0 =	sne.s32 s2, $0x0  }
0x46: {  	s3 =	rddreg [dreg:$0x2];
	[bflag:$0x3] =	sbarrier.arrive $0xFFFF;
	s2 =	simm.s32 @!p0 $0x1C01  }
0x47: {  	[timem:s3], [sflag:s2] =	dma.local @!p0 [hbm:s0], s1  }
0x48: {  	s0 =	simm.s32 @!p0 $0x1  }
0x49: {  	_ =	swait.ge @!p0 [sflag:s0], s1  }
0x4a: {  	s1 =	ssub.s32 @!p0 $0x0, s1;
	[sflag:s0] =	ssyncset.done @!p0 $0x0  }
0x4b: {  	[sflag:s0] =	ssyncadd.s32 @!p0 s1  }
0x4c: {  	[bflag:$0x3] =	sbarrier.arrive $0xFFFF  }
0x4d: {  	_ =	shalt  }

</sc_bundles>
